<compile_context>
chip_gen: v7x
topology: tpu7x:2x2x1
jax: 0.10.2.dev20260603
libtpu: 0.0.44.dev20260713+nightly
codegen_flags: <defaults>
</compile_context>

<pallas_src>
import functools

import jax
import jax.numpy as jnp
from jax import lax
from jax.experimental import pallas as pl
from jax.experimental.pallas import tpu as pltpu
from jax.experimental.pallas import tpu_sc as plsc

_N_TILE = 1024
_K_CHUNK = 256


def _argmax_body(x_ref, e_ref, ind_ref, en_ref):
    @pl.when(pl.program_id(0) == 0)
    def _():
        eb = e_ref[...]
        n = jnp.sqrt(jnp.sum(eb * eb, axis=0, keepdims=True))
        en_ref[...] = eb / jnp.maximum(n, 1e-12)

    xt = x_ref[0]
    n = jnp.sqrt(jnp.sum(xt * xt, axis=0, keepdims=True))
    xn = xt / jnp.maximum(n, 1e-12)

    num_chunks = e_ref.shape[1] // _K_CHUNK
    iota = lax.broadcasted_iota(
        jnp.int32, (_K_CHUNK, xt.shape[1]), 0).astype(jnp.float32)

    bmax = jnp.full((1, xt.shape[1]), -jnp.inf, jnp.float32)
    barg = jnp.zeros((1, xt.shape[1]), jnp.float32)
    for k in range(num_chunks):
        en = en_ref[:, k * _K_CHUNK:(k + 1) * _K_CHUNK]
        s = lax.dot_general(
            en, xn, (((0,), (0,)), ((), ())),
            preferred_element_type=jnp.float32,
        )
        m = jnp.max(s, axis=0, keepdims=True)
        a = jnp.min(
            jnp.where(s == m, iota, jnp.float32(2**24)),
            axis=0, keepdims=True,
        ) + jnp.float32(k * _K_CHUNK)
        upd = m > bmax
        bmax = jnp.where(upd, m, bmax)
        barg = jnp.where(upd, a, barg)
    ind_ref[...] = barg[None].astype(jnp.int32)


def _argmax_call(x3, e2t):
    bb, d, nn = x3.shape
    k = e2t.shape[1]
    assert nn == _N_TILE
    grid = (bb,)
    return pl.pallas_call(
        _argmax_body,
        grid=grid,
        in_specs=[
            pl.BlockSpec((1, d, nn), lambda i: (i, 0, 0)),
            pl.BlockSpec((d, k), lambda i: (0, 0)),
        ],
        out_specs=pl.BlockSpec((1, 1, nn), lambda i: (i, 0, 0)),
        out_shape=jax.ShapeDtypeStruct((bb, 1, nn), jnp.int32),
        scratch_shapes=[pltpu.VMEM((d, k), jnp.float32)],
    )(x3, e2t)


def _make_gather(v, d, bb, nn):
    info = plsc.get_sparse_core_info()
    nw = info.num_cores * info.num_subcores
    b = bb * nn
    assert d % info.num_lanes == 0 and b % (8 * nw) == 0
    b_per_w = b // nw
    w_per_b = nn // b_per_w
    mesh = plsc.VectorSubcoreMesh(core_axis_name="c", subcore_axis_name="s")

    @functools.partial(
        pl.kernel, mesh=mesh,
        compiler_params=pltpu.CompilerParams(use_tc_tiling_on_sc=False),
        out_type=jax.ShapeDtypeStruct((bb, nn, d), jnp.float32),
        scratch_types=[
            pltpu.VMEM((b_per_w,), jnp.int32),
            pltpu.VMEM((b_per_w, d), jnp.float32),
            pltpu.SemaphoreType.DMA,
        ],
    )
    def gather(table_hbm, idx_hbm, out_hbm, idx_v, rows_v, sem):
        wid = lax.axis_index("s") * info.num_cores + lax.axis_index("c")
        base = wid * b_per_w
        pltpu.sync_copy(idx_hbm.at[pl.ds(base, b_per_w)], idx_v)
        pltpu.async_copy(table_hbm.at[idx_v], rows_v, sem).wait()
        pltpu.sync_copy(
            rows_v, out_hbm.at[wid // w_per_b,
                               pl.ds((wid % w_per_b) * b_per_w, b_per_w)])

    return gather


def kernel(x, embed):
    x = x.astype(jnp.float32)
    bb, nn, d = x.shape
    k = embed.shape[1]
    x3 = jnp.transpose(x, (0, 2, 1))
    e2t = jnp.transpose(embed, (0, 2, 1)).reshape(d, k)
    ind2 = _argmax_call(x3, e2t).reshape(bb, nn)
    e2 = embed.reshape(k, d)
    quant = _make_gather(k, d, bb, nn)(e2, ind2.reshape(-1))
    return quant, ind2

# --- scband reference (transcript-rebuilt; emitter-appended) ---
"""Pipeline reference for scband-cosine-sim-codebook-47768626266325 (READ-ONLY COPY).

The authoritative reference and input builder live on the scoring server;
editing this copy changes nothing except your own understanding.
"""

import jax, jax.numpy as jnp
import numpy as np


def _l2norm(t, axis=-1, eps=1e-12):
    n = jnp.sqrt(jnp.sum(t * t, axis=axis, keepdims=True))
    return t / jnp.maximum(n, eps)


def setup_inputs(seed: int = 0) -> dict:
    key = jax.random.key(seed)
    k1, k2 = jax.random.split(key)
    B, N, D, K = 8, 1024, 32, 8192
    x = jax.random.normal(k1, (B, N, D), dtype=jnp.float32)
    # codebook: uniform init then L2-normalized, shape [1, K, D] (heads dim = 1)
    embed = jax.random.uniform(k2, (1, K, D), dtype=jnp.float32, minval=-1.0, maxval=1.0)
    embed = _l2norm(embed, axis=-1)
    return {"x": x, "embed": embed}


def reference(x, embed):
    # eval-mode forward of CosineSimCodebook (sample_codebook_temp=0 -> argmax)
    x = x.astype(jnp.float32)
    needs_codebook_dim = x.ndim < 4
    if needs_codebook_dim:
        x = x[None, ...]  # 'h ... d' with h=1
    shape = x.shape
    h = shape[0]
    flatten = x.reshape(h, -1, shape[-1])  # h (...) d
    flatten = _l2norm(flatten, axis=-1)
    embed_n = _l2norm(embed, axis=-1)
    dist = jnp.einsum('hnd,hcd->hnc', flatten, embed_n)
    embed_ind = jnp.argmax(dist, axis=-1)  # gumbel_sample with temperature 0
    embed_ind = embed_ind.reshape(shape[:-1])  # [h, B, N]
    # batched_embedding: quantize[h] = embed[h][embed_ind[h]]
    quantize = jax.vmap(lambda e, i: jnp.take(e, i, axis=0))(embed, embed_ind)
    if needs_codebook_dim:
        quantize = quantize[0]
        embed_ind = embed_ind[0]
    return (quantize, embed_ind)

if __name__ == "__main__":
    import jax
    _d = setup_inputs()
    print(jax.jit(kernel)(*tuple(_d.values())))

</pallas_src>

<mosaic_0001>
#map = affine_map<(d0, d1) -> (0, 0)>
#map1 = affine_map<(d0, d1) -> (0)>
#map2 = affine_map<(d0, d1) -> (0, 0, 0)>
module attributes {stable_mosaic.version = 14 : i64} {
  func.func @gather(%arg0: i32, %arg1: i32, %arg2: memref<8192x32xf32, #tpu.memory_space<hbm>>, %arg3: memref<8192xi32, #tpu.memory_space<hbm>>, %arg4: memref<8x1024x32xf32, #tpu.memory_space<hbm>>, %arg5: memref<256xi32, #tpu.memory_space<vmem>>, %arg6: memref<256x32xf32, #tpu.memory_space<vmem>>, %arg7: memref<!tpu.dma_semaphore, #tpu.memory_space<semaphore_mem>>) attributes {dimension_semantics = [#tpu.dimension_semantics<core_parallel>, #tpu.dimension_semantics<subcore_parallel>], iteration_bounds = array<i64: 2, 16>, scalar_prefetch = 0 : i64, scratch_operands = 3 : i64, tpu.core_type = #tpu.core_type<sc_vector_subcore>, window_params = [{transform_indices = #map}, {transform_indices = #map1}, {transform_indices = #map2}]} {
    %mul3A = arith.constant 2 : i32
    %mul3A_0 = arith.muli %arg1, %mul3A : i32
    %add3A = arith.addi %mul3A_0, %arg0 : i32
    %mul3A_1 = arith.constant 256 : i32
    %mul3A_2 = arith.muli %add3A, %mul3A_1 : i32
    "tpu.region"() ({
      %run_scoped3A = tpu.sem_alloc : memref<!tpu.dma_semaphore, #tpu.memory_space<semaphore_mem>>
      %dma_start3A_39 = tpu.memref_slice %arg3[%mul3A_2] : memref<8192xi32, #tpu.memory_space<hbm>> -> memref<256xi32, #tpu.memory_space<hbm>>
      %dma_start3A_40 = tpu.memref_slice %arg3[%mul3A_2] : memref<8192xi32, #tpu.memory_space<hbm>> -> memref<256xi32, #tpu.memory_space<hbm>>
      tpu.enqueue_dma source(%dma_start3A_40 : memref<256xi32, #tpu.memory_space<hbm>>) target(%arg5 : memref<256xi32, #tpu.memory_space<vmem>>) target_semaphore(%run_scoped3A : memref<!tpu.dma_semaphore, #tpu.memory_space<semaphore_mem>>)
      %dma_wait3A_41 = tpu.memref_slice %arg3[%mul3A_2] : memref<8192xi32, #tpu.memory_space<hbm>> -> memref<256xi32, #tpu.memory_space<hbm>>
      %dma_wait3A_42 = tpu.memref_slice %arg3[%mul3A_2] : memref<8192xi32, #tpu.memory_space<hbm>> -> memref<256xi32, #tpu.memory_space<hbm>>
      tpu.wait_dma2 semaphore(%run_scoped3A : memref<!tpu.dma_semaphore, #tpu.memory_space<semaphore_mem>>) src(%dma_wait3A_42 : memref<256xi32, #tpu.memory_space<hbm>>) dst(%arg5 : memref<256xi32, #tpu.memory_space<vmem>>)
      tpu.yield
    }) : () -> ()
    %dma_start3A = arith.constant 0 : i32
    %dma_start3A_3 = arith.constant 0 : i32
    %dma_start3A_4 = tpu.memref_slice %arg2[%dma_start3A, %dma_start3A_3] : memref<8192x32xf32, #tpu.memory_space<hbm>> -> memref<8192x32xf32, #tpu.memory_space<hbm>>
    tpu.enqueue_indirect_dma source(%dma_start3A_4 : memref<8192x32xf32, #tpu.memory_space<hbm>>) target(%arg6 : memref<256x32xf32, #tpu.memory_space<vmem>>) offsets(%arg5 : memref<256xi32, #tpu.memory_space<vmem>>) semaphore(%arg7 : memref<!tpu.dma_semaphore, #tpu.memory_space<semaphore_mem>>)
    %dma_wait3A = arith.constant 0 : i32
    %dma_wait3A_5 = arith.constant 0 : i32
    %dma_wait3A_6 = tpu.memref_slice %arg2[%dma_wait3A, %dma_wait3A_5] : memref<8192x32xf32, #tpu.memory_space<hbm>> -> memref<8192x32xf32, #tpu.memory_space<hbm>>
    tpu.wait_indirect_dma semaphore(%arg7 : memref<!tpu.dma_semaphore, #tpu.memory_space<semaphore_mem>>) src(%dma_wait3A_6 : memref<8192x32xf32, #tpu.memory_space<hbm>>) dst(%arg6 : memref<256x32xf32, #tpu.memory_space<vmem>>)
    %jit3A = arith.constant 4 : i32
    %div3A = arith.divsi %add3A, %jit3A : i32
    %sign3A = arith.constant 0 : i32
    %sign3A_7 = arith.cmpi sgt, %add3A, %sign3A : i32
    %sign3A_8 = arith.extui %sign3A_7 : i1 to i32
    %sign3A_9 = arith.constant 0 : i32
    %sign3A_10 = arith.cmpi slt, %add3A, %sign3A_9 : i32
    %sign3A_11 = arith.extui %sign3A_10 : i1 to i32
    %sign3A_12 = arith.subi %sign3A_8, %sign3A_11 : i32
    %sign3A_13 = arith.constant 0 : i32
    %sign3A_14 = arith.cmpi sgt, %jit3A, %sign3A_13 : i32
    %sign3A_15 = arith.extui %sign3A_14 : i1 to i32
    %sign3A_16 = arith.constant 0 : i32
    %sign3A_17 = arith.cmpi slt, %jit3A, %sign3A_16 : i32
    %sign3A_18 = arith.extui %sign3A_17 : i1 to i32
    %sign3A_19 = arith.subi %sign3A_15, %sign3A_18 : i32
    %ne3A = arith.cmpi ne, %sign3A_12, %sign3A_19 : i32
    %rem3A = arith.remsi %add3A, %jit3A : i32
    %ne3A_20 = arith.constant 0 : i32
    %ne3A_21 = arith.cmpi ne, %rem3A, %ne3A_20 : i32
    %and3A = arith.andi %ne3A, %ne3A_21 : i1
    %sub3A = arith.constant 1 : i32
    %sub3A_22 = arith.subi %div3A, %sub3A : i32
    %select_n3A = arith.select %and3A, %sub3A_22, %div3A : i32
    %jit3A_23 = arith.constant 4 : i32
    %eq3A = arith.constant 0 : i32
    %eq3A_24 = arith.cmpi eq, %jit3A_23, %eq3A : i32
    %jit3A_25 = arith.constant 1 : i32
    %select_n3A_26 = arith.select %eq3A_24, %jit3A_25, %jit3A_23 : i32
    %rem3A_27 = arith.remsi %add3A, %select_n3A_26 : i32
    %ne3A_28 = arith.constant 0 : i32
    %ne3A_29 = arith.cmpi ne, %rem3A_27, %ne3A_28 : i32
    %lt3A = arith.constant 0 : i32
    %lt3A_30 = arith.cmpi slt, %rem3A_27, %lt3A : i32
    %lt3A_31 = arith.constant 0 : i32
    %lt3A_32 = arith.cmpi slt, %select_n3A_26, %lt3A_31 : i32
    %ne3A_33 = arith.xori %lt3A_30, %lt3A_32 : i1
    %and3A_34 = arith.andi %ne3A_33, %ne3A_29 : i1
    %add3A_35 = arith.addi %rem3A_27, %select_n3A_26 : i32
    %select_n3A_36 = arith.select %and3A_34, %add3A_35, %rem3A_27 : i32
    %mul3A_37 = arith.constant 256 : i32
    %mul3A_38 = arith.muli %select_n3A_36, %mul3A_37 : i32
    "tpu.region"() ({
      %run_scoped3A = tpu.sem_alloc : memref<!tpu.dma_semaphore, #tpu.memory_space<semaphore_mem>>
      %dma_start3A_39 = arith.constant 0 : i32
      %dma_start3A_40 = tpu.memref_slice %arg4[%select_n3A, %mul3A_38, %dma_start3A_39] : memref<8x1024x32xf32, #tpu.memory_space<hbm>> -> memref<1x256x32xf32, #tpu.memory_space<hbm>>
      %dma_start3A_41 = tpu.memref_squeeze %dma_start3A_40 : memref<1x256x32xf32, #tpu.memory_space<hbm>> -> memref<256x32xf32, #tpu.memory_space<hbm>>
      %dma_start3A_42 = arith.constant 0 : i32
      %dma_start3A_43 = tpu.memref_slice %arg4[%select_n3A, %mul3A_38, %dma_start3A_42] : memref<8x1024x32xf32, #tpu.memory_space<hbm>> -> memref<1x256x32xf32, #tpu.memory_space<hbm>>
      %dma_start3A_44 = tpu.memref_squeeze %dma_start3A_43 : memref<1x256x32xf32, #tpu.memory_space<hbm>> -> memref<256x32xf32, #tpu.memory_space<hbm>>
      tpu.enqueue_dma source(%arg6 : memref<256x32xf32, #tpu.memory_space<vmem>>) target(%dma_start3A_44 : memref<256x32xf32, #tpu.memory_space<hbm>>) target_semaphore(%run_scoped3A : memref<!tpu.dma_semaphore, #tpu.memory_space<semaphore_mem>>)
      %dma_wait3A_45 = arith.constant 0 : i32
      %dma_wait3A_46 = tpu.memref_slice %arg4[%select_n3A, %mul3A_38, %dma_wait3A_45] : memref<8x1024x32xf32, #tpu.memory_space<hbm>> -> memref<1x256x32xf32, #tpu.memory_space<hbm>>
      %dma_wait3A_47 = tpu.memref_squeeze %dma_wait3A_46 : memref<1x256x32xf32, #tpu.memory_space<hbm>> -> memref<256x32xf32, #tpu.memory_space<hbm>>
      %dma_wait3A_48 = arith.constant 0 : i32
      %dma_wait3A_49 = tpu.memref_slice %arg4[%select_n3A, %mul3A_38, %dma_wait3A_48] : memref<8x1024x32xf32, #tpu.memory_space<hbm>> -> memref<1x256x32xf32, #tpu.memory_space<hbm>>
      %dma_wait3A_50 = tpu.memref_squeeze %dma_wait3A_49 : memref<1x256x32xf32, #tpu.memory_space<hbm>> -> memref<256x32xf32, #tpu.memory_space<hbm>>
      tpu.wait_dma2 semaphore(%run_scoped3A : memref<!tpu.dma_semaphore, #tpu.memory_space<semaphore_mem>>) src(%arg6 : memref<256x32xf32, #tpu.memory_space<vmem>>) dst(%dma_wait3A_50 : memref<256x32xf32, #tpu.memory_space<hbm>>)
      tpu.yield
    }) : () -> ()
    return
  }
}

module attributes {stable_mosaic.version = 14 : i64} {
  func.func @_argmax_body(%arg0: i32, %arg1: memref<1x32x1024xf32, #tpu.memory_space<vmem>>, %arg2: memref<32x8192xf32, #tpu.memory_space<vmem>>, %arg3: memref<1x1x1024xi32, #tpu.memory_space<vmem>>, %arg4: memref<32x8192xf32, #tpu.memory_space<vmem>>) attributes {dimension_semantics = [#tpu.dimension_semantics<arbitrary>], iteration_bounds = array<i64: 8>, scalar_prefetch = 0 : i64, scratch_operands = 1 : i64, tpu.core_type = #tpu.core_type<tc>, window_params = [{transform_indices = @transform_0, window_bounds = array<i64: 1, 32, 1024>}, {pipeline_mode = #tpu.pipeline_mode<synchronous>, transform_indices = @transform_1, window_bounds = array<i64: 32, 8192>}, {transform_indices = @transform_2, window_bounds = array<i64: 1, 1, 1024>}]} {
    %eq3A = arith.constant 0 : i32
    %eq3A_0 = arith.cmpi eq, %arg0, %eq3A : i32
    %convert_element_type3A = arith.extui %eq3A_0 : i1 to i32
    %cond3A = arith.constant 0 : i32
    %cond3A_1 = arith.cmpi ne, %convert_element_type3A, %cond3A : i32
    scf.if %cond3A_1 {
      %get3A_716 = arith.constant 0 : index
      %get3A_717 = arith.constant 0 : index
      %get3A_718 = vector.load %arg2[%get3A_716, %get3A_717] : memref<32x8192xf32, #tpu.memory_space<vmem>>, vector<32x8192xf32>
      %mul3A_719 = arith.mulf %get3A_718, %get3A_718 : vector<32x8192xf32>
      %reduce_sum3A_720 = arith.constant dense<0.000000e+00> : vector<8192xf32>
      %reduce_sum3A_721 = vector.multi_reduction <add>, %mul3A_719, %reduce_sum3A_720 [0] : vector<32x8192xf32> to vector<8192xf32>
      %broadcast_in_dim3A_722 = vector.shape_cast %reduce_sum3A_721 : vector<8192xf32> to vector<1x8192xf32>
      %sqrt3A_723 = math.sqrt %broadcast_in_dim3A_722 : vector<1x8192xf32>
      %max3A_724 = arith.constant 9.99999996E-13 : f32
      %max3A_725 = vector.broadcast %max3A_724 : f32 to vector<1x8192xf32>
      %max3A_726 = arith.maximumf %sqrt3A_723, %max3A_725 : vector<1x8192xf32>
      %div3A_727 = vector.broadcast %max3A_726 : vector<1x8192xf32> to vector<32x8192xf32>
      %div3A_728 = arith.divf %get3A_718, %div3A_727 : vector<32x8192xf32>
      %swap3A_729 = arith.constant 0 : index
      %swap3A_730 = arith.constant 0 : index
      %swap3A_731 = vector.load %arg4[%swap3A_729, %swap3A_730] : memref<32x8192xf32, #tpu.memory_space<vmem>>, vector<32x8192xf32>
      tpu.vector_store %arg4[%swap3A_729, %swap3A_730], %div3A_728 {strides = array<i32>} : memref<32x8192xf32, #tpu.memory_space<vmem>>, vector<32x8192xf32>,
    } else {
    }
    %get3A = arith.constant 0 : index
    %get3A_2 = arith.constant 0 : index
    %get3A_3 = arith.constant 0 : index
    %get3A_4 = vector.load %arg1[%get3A, %get3A_2, %get3A_3] : memref<1x32x1024xf32, #tpu.memory_space<vmem>>, vector<1x32x1024xf32>
    %get3A_5 = vector.shape_cast %get3A_4 : vector<1x32x1024xf32> to vector<32x1024xf32>
    %mul3A = arith.mulf %get3A_5, %get3A_5 : vector<32x1024xf32>
    %reduce_sum3A = arith.constant dense<0.000000e+00> : vector<1024xf32>
    %reduce_sum3A_6 = vector.multi_reduction <add>, %mul3A, %reduce_sum3A [0] : vector<32x1024xf32> to vector<1024xf32>
    %broadcast_in_dim3A = vector.shape_cast %reduce_sum3A_6 : vector<1024xf32> to vector<1x1024xf32>
    %sqrt3A = math.sqrt %broadcast_in_dim3A : vector<1x1024xf32>
    %max3A = arith.constant 9.99999996E-13 : f32
    %max3A_7 = vector.broadcast %max3A : f32 to vector<1x1024xf32>
    %max3A_8 = arith.maximumf %sqrt3A, %max3A_7 : vector<1x1024xf32>
    %div3A = vector.broadcast %max3A_8 : vector<1x1024xf32> to vector<32x1024xf32>
    %div3A_9 = arith.divf %get3A_5, %div3A : vector<32x1024xf32>
    %iota3A = tpu.iota {dimensions = array<i32: 0>} : vector<256x1024xi32>
    %convert_element_type3A_10 = arith.sitofp %iota3A : vector<256x1024xi32> to vector<256x1024xf32>
    %broadcast_in_dim3A_11 = arith.constant 0xFF800000 : f32
    %broadcast_in_dim3A_12 = vector.broadcast %broadcast_in_dim3A_11 : f32 to vector<1x1024xf32>
    %broadcast_in_dim3A_13 = arith.constant 0.000000e+00 : f32
    %broadcast_in_dim3A_14 = vector.broadcast %broadcast_in_dim3A_13 : f32 to vector<1x1024xf32>
    %get3A_15 = arith.constant 0 : index
    %get3A_16 = arith.constant 0 : index
    %get3A_17 = vector.load %arg4[%get3A_15, %get3A_16] : memref<32x8192xf32, #tpu.memory_space<vmem>>, vector<32x256xf32>
    %dot_general3A = arith.constant dense<0.000000e+00> : vector<256x1024xf32>
    %dot_general3A_18 = tpu.matmul %get3A_17, %div3A_9, %dot_general3A {dimension_numbers = #tpu.dot_dimension_numbers<[0], [0], [1], [1], [0, 1, 1, 1], [], []>, transpose_lhs_hint = false} : vector<32x256xf32>, vector<32x1024xf32>, vector<256x1024xf32> -> vector<256x1024xf32>
    %reduce_max3A = arith.constant dense<0xFF800000> : vector<1024xf32>
    %reduce_max3A_19 = vector.multi_reduction <maximumf>, %dot_general3A_18, %reduce_max3A [0] : vector<256x1024xf32> to vector<1024xf32>
    %broadcast_in_dim3A_20 = vector.shape_cast %reduce_max3A_19 : vector<1024xf32> to vector<1x1024xf32>
    %eq3A_21 = vector.broadcast %broadcast_in_dim3A_20 : vector<1x1024xf32> to vector<256x1024xf32>
    %eq3A_22 = arith.cmpf oeq, %dot_general3A_18, %eq3A_21 : vector<256x1024xf32>
    %jit3A = arith.constant 0x4B800000 : f32
    %broadcast_in_dim3A_23 = vector.broadcast %jit3A : f32 to vector<256x1024xf32>
    %select_n3A = arith.select %eq3A_22, %convert_element_type3A_10, %broadcast_in_dim3A_23 : vector<256x1024xi1>, vector<256x1024xf32>
    %reduce_min3A = arith.constant dense<0x7F800000> : vector<1024xf32>
    %reduce_min3A_24 = vector.multi_reduction <minimumf>, %select_n3A, %reduce_min3A [0] : vector<256x1024xf32> to vector<1024xf32>
    %broadcast_in_dim3A_25 = vector.shape_cast %reduce_min3A_24 : vector<1024xf32> to vector<1x1024xf32>
    %add3A = arith.constant 0.000000e+00 : f32
    %add3A_26 = vector.broadcast %add3A : f32 to vector<1x1024xf32>
    %add3A_27 = arith.addf %broadcast_in_dim3A_25, %add3A_26 : vector<1x1024xf32>
    %gt3A = arith.cmpf ogt, %broadcast_in_dim3A_20, %broadcast_in_dim3A_12 : vector<1x1024xf32>
    %select_n3A_28 = arith.select %gt3A, %broadcast_in_dim3A_20, %broadcast_in_dim3A_12 : vector<1x1024xi1>, vector<1x1024xf32>
    %select_n3A_29 = arith.select %gt3A, %add3A_27, %broadcast_in_dim3A_14 : vector<1x1024xi1>, vector<1x1024xf32>
    %get3A_30 = arith.constant 0 : index
    %get3A_31 = arith.constant 256 : index
    %get3A_32 = vector.load %arg4[%get3A_30, %get3A_31] : memref<32x8192xf32, #tpu.memory_space<vmem>>, vector<32x256xf32>
    %dot_general3A_33 = arith.constant dense<0.000000e+00> : vector<256x1024xf32>
    %dot_general3A_34 = tpu.matmul %get3A_32, %div3A_9, %dot_general3A_33 {dimension_numbers = #tpu.dot_dimension_numbers<[0], [0], [1], [1], [0, 1, 1, 1], [], []>, transpose_lhs_hint = false} : vector<32x256xf32>, vector<32x1024xf32>, vector<256x1024xf32> -> vector<256x1024xf32>
    %reduce_max3A_35 = arith.constant dense<0xFF800000> : vector<1024xf32>
    %reduce_max3A_36 = vector.multi_reduction <maximumf>, %dot_general3A_34, %reduce_max3A_35 [0] : vector<256x1024xf32> to vector<1024xf32>
    %broadcast_in_dim3A_37 = vector.shape_cast %reduce_max3A_36 : vector<1024xf32> to vector<1x1024xf32>
    %eq3A_38 = vector.broadcast %broadcast_in_dim3A_37 : vector<1x1024xf32> to vector<256x1024xf32>
    %eq3A_39 = arith.cmpf oeq, %dot_general3A_34, %eq3A_38 : vector<256x1024xf32>
    %jit3A_40 = arith.constant 0x4B800000 : f32
    %broadcast_in_dim3A_41 = vector.broadcast %jit3A_40 : f32 to vector<256x1024xf32>
    %select_n3A_42 = arith.select %eq3A_39, %convert_element_type3A_10, %broadcast_in_dim3A_41 : vector<256x1024xi1>, vector<256x1024xf32>
    %reduce_min3A_43 = arith.constant dense<0x7F800000> : vector<1024xf32>
    %reduce_min3A_44 = vector.multi_reduction <minimumf>, %select_n3A_42, %reduce_min3A_43 [0] : vector<256x1024xf32> to vector<1024xf32>
    %broadcast_in_dim3A_45 = vector.shape_cast %reduce_min3A_44 : vector<1024xf32> to vector<1x1024xf32>
    %add3A_46 = arith.constant 2.560000e+02 : f32
    %add3A_47 = vector.broadcast %add3A_46 : f32 to vector<1x1024xf32>
    %add3A_48 = arith.addf %broadcast_in_dim3A_45, %add3A_47 : vector<1x1024xf32>
    %gt3A_49 = arith.cmpf ogt, %broadcast_in_dim3A_37, %select_n3A_28 : vector<1x1024xf32>
    %select_n3A_50 = arith.select %gt3A_49, %broadcast_in_dim3A_37, %select_n3A_28 : vector<1x1024xi1>, vector<1x1024xf32>
    %select_n3A_51 = arith.select %gt3A_49, %add3A_48, %select_n3A_29 : vector<1x1024xi1>, vector<1x1024xf32>
    %get3A_52 = arith.constant 0 : index
    %get3A_53 = arith.constant 512 : index
    %get3A_54 = vector.load %arg4[%get3A_52, %get3A_53] : memref<32x8192xf32, #tpu.memory_space<vmem>>, vector<32x256xf32>
    %dot_general3A_55 = arith.constant dense<0.000000e+00> : vector<256x1024xf32>
    %dot_general3A_56 = tpu.matmul %get3A_54, %div3A_9, %dot_general3A_55 {dimension_numbers = #tpu.dot_dimension_numbers<[0], [0], [1], [1], [0, 1, 1, 1], [], []>, transpose_lhs_hint = false} : vector<32x256xf32>, vector<32x1024xf32>, vector<256x1024xf32> -> vector<256x1024xf32>
    %reduce_max3A_57 = arith.constant dense<0xFF800000> : vector<1024xf32>
    %reduce_max3A_58 = vector.multi_reduction <maximumf>, %dot_general3A_56, %reduce_max3A_57 [0] : vector<256x1024xf32> to vector<1024xf32>
    %broadcast_in_dim3A_59 = vector.shape_cast %reduce_max3A_58 : vector<1024xf32> to vector<1x1024xf32>
    %eq3A_60 = vector.broadcast %broadcast_in_dim3A_59 : vector<1x1024xf32> to vector<256x1024xf32>
    %eq3A_61 = arith.cmpf oeq, %dot_general3A_56, %eq3A_60 : vector<256x1024xf32>
    %jit3A_62 = arith.constant 0x4B800000 : f32
    %broadcast_in_dim3A_63 = vector.broadcast %jit3A_62 : f32 to vector<256x1024xf32>
    %select_n3A_64 = arith.select %eq3A_61, %convert_element_type3A_10, %broadcast_in_dim3A_63 : vector<256x1024xi1>, vector<256x1024xf32>
    %reduce_min3A_65 = arith.constant dense<0x7F800000> : vector<1024xf32>
    %reduce_min3A_66 = vector.multi_reduction <minimumf>, %select_n3A_64, %reduce_min3A_65 [0] : vector<256x1024xf32> to vector<1024xf32>
    %broadcast_in_dim3A_67 = vector.shape_cast %reduce_min3A_66 : vector<1024xf32> to vector<1x1024xf32>
    %add3A_68 = arith.constant 5.120000e+02 : f32
    %add3A_69 = vector.broadcast %add3A_68 : f32 to vector<1x1024xf32>
    %add3A_70 = arith.addf %broadcast_in_dim3A_67, %add3A_69 : vector<1x1024xf32>
    %gt3A_71 = arith.cmpf ogt, %broadcast_in_dim3A_59, %select_n3A_50 : vector<1x1024xf32>
    %select_n3A_72 = arith.select %gt3A_71, %broadcast_in_dim3A_59, %select_n3A_50 : vector<1x1024xi1>, vector<1x1024xf32>
    %select_n3A_73 = arith.select %gt3A_71, %add3A_70, %select_n3A_51 : vector<1x1024xi1>, vector<1x1024xf32>
    %get3A_74 = arith.constant 0 : index
    %get3A_75 = arith.constant 768 : index
    %get3A_76 = vector.load %arg4[%get3A_74, %get3A_75] : memref<32x8192xf32, #tpu.memory_space<vmem>>, vector<32x256xf32>
    %dot_general3A_77 = arith.constant dense<0.000000e+00> : vector<256x1024xf32>
    %dot_general3A_78 = tpu.matmul %get3A_76, %div3A_9, %dot_general3A_77 {dimension_numbers = #tpu.dot_dimension_numbers<[0], [0], [1], [1], [0, 1, 1, 1], [], []>, transpose_lhs_hint = false} : vector<32x256xf32>, vector<32x1024xf32>, vector<256x1024xf32> -> vector<256x1024xf32>
    %reduce_max3A_79 = arith.constant dense<0xFF800000> : vector<1024xf32>
    %reduce_max3A_80 = vector.multi_reduction <maximumf>, %dot_general3A_78, %reduce_max3A_79 [0] : vector<256x1024xf32> to vector<1024xf32>
    %broadcast_in_dim3A_81 = vector.shape_cast %reduce_max3A_80 : vector<1024xf32> to vector<1x1024xf32>
    %eq3A_82 = vector.broadcast %broadcast_in_dim3A_81 : vector<1x1024xf32> to vector<256x1024xf32>
    %eq3A_83 = arith.cmpf oeq, %dot_general3A_78, %eq3A_82 : vector<256x1024xf32>
    %jit3A_84 = arith.constant 0x4B800000 : f32
    %broadcast_in_dim3A_85 = vector.broadcast %jit3A_84 : f32 to vector<256x1024xf32>
    %select_n3A_86 = arith.select %eq3A_83, %convert_element_type3A_10, %broadcast_in_dim3A_85 : vector<256x1024xi1>, vector<256x1024xf32>
    %reduce_min3A_87 = arith.constant dense<0x7F800000> : vector<1024xf32>
    %reduce_min3A_88 = vector.multi_reduction <minimumf>, %select_n3A_86, %reduce_min3A_87 [0] : vector<256x1024xf32> to vector<1024xf32>
    %broadcast_in_dim3A_89 = vector.shape_cast %reduce_min3A_88 : vector<1024xf32> to vector<1x1024xf32>
    %add3A_90 = arith.constant 7.680000e+02 : f32
    %add3A_91 = vector.broadcast %add3A_90 : f32 to vector<1x1024xf32>
    %add3A_92 = arith.addf %broadcast_in_dim3A_89, %add3A_91 : vector<1x1024xf32>
    %gt3A_93 = arith.cmpf ogt, %broadcast_in_dim3A_81, %select_n3A_72 : vector<1x1024xf32>
    %select_n3A_94 = arith.select %gt3A_93, %broadcast_in_dim3A_81, %select_n3A_72 : vector<1x1024xi1>, vector<1x1024xf32>
    %select_n3A_95 = arith.select %gt3A_93, %add3A_92, %select_n3A_73 : vector<1x1024xi1>, vector<1x1024xf32>
    %get3A_96 = arith.constant 0 : index
    %get3A_97 = arith.constant 1024 : index
    %get3A_98 = vector.load %arg4[%get3A_96, %get3A_97] : memref<32x8192xf32, #tpu.memory_space<vmem>>, vector<32x256xf32>
    %dot_general3A_99 = arith.constant dense<0.000000e+00> : vector<256x1024xf32>
    %dot_general3A_100 = tpu.matmul %get3A_98, %div3A_9, %dot_general3A_99 {dimension_numbers = #tpu.dot_dimension_numbers<[0], [0], [1], [1], [0, 1, 1, 1], [], []>, transpose_lhs_hint = false} : vector<32x256xf32>, vector<32x1024xf32>, vector<256x1024xf32> -> vector<256x1024xf32>
    %reduce_max3A_101 = arith.constant dense<0xFF800000> : vector<1024xf32>
    %reduce_max3A_102 = vector.multi_reduction <maximumf>, %dot_general3A_100, %reduce_max3A_101 [0] : vector<256x1024xf32> to vector<1024xf32>
    %broadcast_in_dim3A_103 = vector.shape_cast %reduce_max3A_102 : vector<1024xf32> to vector<1x1024xf32>
    %eq3A_104 = vector.broadcast %broadcast_in_dim3A_103 : vector<1x1024xf32> to vector<256x1024xf32>
    %eq3A_105 = arith.cmpf oeq, %dot_general3A_100, %eq3A_104 : vector<256x1024xf32>
    %jit3A_106 = arith.constant 0x4B800000 : f32
    %broadcast_in_dim3A_107 = vector.broadcast %jit3A_106 : f32 to vector<256x1024xf32>
    %select_n3A_108 = arith.select %eq3A_105, %convert_element_type3A_10, %broadcast_in_dim3A_107 : vector<256x1024xi1>, vector<256x1024xf32>
    %reduce_min3A_109 = arith.constant dense<0x7F800000> : vector<1024xf32>
    %reduce_min3A_110 = vector.multi_reduction <minimumf>, %select_n3A_108, %reduce_min3A_109 [0] : vector<256x1024xf32> to vector<1024xf32>
    %broadcast_in_dim3A_111 = vector.shape_cast %reduce_min3A_110 : vector<1024xf32> to vector<1x1024xf32>
    %add3A_112 = arith.constant 1.024000e+03 : f32
    %add3A_113 = vector.broadcast %add3A_112 : f32 to vector<1x1024xf32>
    %add3A_114 = arith.addf %broadcast_in_dim3A_111, %add3A_113 : vector<1x1024xf32>
    %gt3A_115 = arith.cmpf ogt, %broadcast_in_dim3A_103, %select_n3A_94 : vector<1x1024xf32>
    %select_n3A_116 = arith.select %gt3A_115, %broadcast_in_dim3A_103, %select_n3A_94 : vector<1x1024xi1>, vector<1x1024xf32>
    %select_n3A_117 = arith.select %gt3A_115, %add3A_114, %select_n3A_95 : vector<1x1024xi1>, vector<1x1024xf32>
    %get3A_118 = arith.constant 0 : index
    %get3A_119 = arith.constant 1280 : index
    %get3A_120 = vector.load %arg4[%get3A_118, %get3A_119] : memref<32x8192xf32, #tpu.memory_space<vmem>>, vector<32x256xf32>
    %dot_general3A_121 = arith.constant dense<0.000000e+00> : vector<256x1024xf32>
    %dot_general3A_122 = tpu.matmul %get3A_120, %div3A_9, %dot_general3A_121 {dimension_numbers = #tpu.dot_dimension_numbers<[0], [0], [1], [1], [0, 1, 1, 1], [], []>, transpose_lhs_hint = false} : vector<32x256xf32>, vector<32x1024xf32>, vector<256x1024xf32> -> vector<256x1024xf32>
    %reduce_max3A_123 = arith.constant dense<0xFF800000> : vector<1024xf32>
    %reduce_max3A_124 = vector.multi_reduction <maximumf>, %dot_general3A_122, %reduce_max3A_123 [0] : vector<256x1024xf32> to vector<1024xf32>
    %broadcast_in_dim3A_125 = vector.shape_cast %reduce_max3A_124 : vector<1024xf32> to vector<1x1024xf32>
    %eq3A_126 = vector.broadcast %broadcast_in_dim3A_125 : vector<1x1024xf32> to vector<256x1024xf32>
    %eq3A_127 = arith.cmpf oeq, %dot_general3A_122, %eq3A_126 : vector<256x1024xf32>
    %jit3A_128 = arith.constant 0x4B800000 : f32
    %broadcast_in_dim3A_129 = vector.broadcast %jit3A_128 : f32 to vector<256x1024xf32>
    %select_n3A_130 = arith.select %eq3A_127, %convert_element_type3A_10, %broadcast_in_dim3A_129 : vector<256x1024xi1>, vector<256x1024xf32>
    %reduce_min3A_131 = arith.constant dense<0x7F800000> : vector<1024xf32>
    %reduce_min3A_132 = vector.multi_reduction <minimumf>, %select_n3A_130, %reduce_min3A_131 [0] : vector<256x1024xf32> to vector<1024xf32>
    %broadcast_in_dim3A_133 = vector.shape_cast %reduce_min3A_132 : vector<1024xf32> to vector<1x1024xf32>
    %add3A_134 = arith.constant 1.280000e+03 : f32
    %add3A_135 = vector.broadcast %add3A_134 : f32 to vector<1x1024xf32>
    %add3A_136 = arith.addf %broadcast_in_dim3A_133, %add3A_135 : vector<1x1024xf32>
    %gt3A_137 = arith.cmpf ogt, %broadcast_in_dim3A_125, %select_n3A_116 : vector<1x1024xf32>
    %select_n3A_138 = arith.select %gt3A_137, %broadcast_in_dim3A_125, %select_n3A_116 : vector<1x1024xi1>, vector<1x1024xf32>
    %select_n3A_139 = arith.select %gt3A_137, %add3A_136, %select_n3A_117 : vector<1x1024xi1>, vector<1x1024xf32>
    %get3A_140 = arith.constant 0 : index
    %get3A_141 = arith.constant 1536 : index
    %get3A_142 = vector.load %arg4[%get3A_140, %get3A_141] : memref<32x8192xf32, #tpu.memory_space<vmem>>, vector<32x256xf32>
    %dot_general3A_143 = arith.constant dense<0.000000e+00> : vector<256x1024xf32>
    %dot_general3A_144 = tpu.matmul %get3A_142, %div3A_9, %dot_general3A_143 {dimension_numbers = #tpu.dot_dimension_numbers<[0], [0], [1], [1], [0, 1, 1, 1], [], []>, transpose_lhs_hint = false} : vector<32x256xf32>, vector<32x1024xf32>, vector<256x1024xf32> -> vector<256x1024xf32>
    %reduce_max3A_145 = arith.constant dense<0xFF800000> : vector<1024xf32>
    %reduce_max3A_146 = vector.multi_reduction <maximumf>, %dot_general3A_144, %reduce_max3A_145 [0] : vector<256x1024xf32> to vector<1024xf32>
    %broadcast_in_dim3A_147 = vector.shape_cast %reduce_max3A_146 : vector<1024xf32> to vector<1x1024xf32>
    %eq3A_148 = vector.broadcast %broadcast_in_dim3A_147 : vector<1x1024xf32> to vector<256x1024xf32>
    %eq3A_149 = arith.cmpf oeq, %dot_general3A_144, %eq3A_148 : vector<256x1024xf32>
    %jit3A_150 = arith.constant 0x4B800000 : f32
    %broadcast_in_dim3A_151 = vector.broadcast %jit3A_150 : f32 to vector<256x1024xf32>
    %select_n3A_152 = arith.select %eq3A_149, %convert_element_type3A_10, %broadcast_in_dim3A_151 : vector<256x1024xi1>, vector<256x1024xf32>
    %reduce_min3A_153 = arith.constant dense<0x7F800000> : vector<1024xf32>
    %reduce_min3A_154 = vector.multi_reduction <minimumf>, %select_n3A_152, %reduce_min3A_153 [0] : vector<256x1024xf32> to vector<1024xf32>
    %broadcast_in_dim3A_155 = vector.shape_cast %reduce_min3A_154 : vector<1024xf32> to vector<1x1024xf32>
    %add3A_156 = arith.constant 1.536000e+03 : f32
    %add3A_157 = vector.broadcast %add3A_156 : f32 to vector<1x1024xf32>
    %add3A_158 = arith.addf %broadcast_in_dim3A_155, %add3A_157 : vector<1x1024xf32>
    %gt3A_159 = arith.cmpf ogt, %broadcast_in_dim3A_147, %select_n3A_138 : vector<1x1024xf32>
    %select_n3A_160 = arith.select %gt3A_159, %broadcast_in_dim3A_147, %select_n3A_138 : vector<1x1024xi1>, vector<1x1024xf32>
    %select_n3A_161 = arith.select %gt3A_159, %add3A_158, %select_n3A_139 : vector<1x1024xi1>, vector<1x1024xf32>
    %get3A_162 = arith.constant 0 : index
    %get3A_163 = arith.constant 1792 : index
    %get3A_164 = vector.load %arg4[%get3A_162, %get3A_163] : memref<32x8192xf32, #tpu.memory_space<vmem>>, vector<32x256xf32>
    %dot_general3A_165 = arith.constant dense<0.000000e+00> : vector<256x1024xf32>
    %dot_general3A_166 = tpu.matmul %get3A_164, %div3A_9, %dot_general3A_165 {dimension_numbers = #tpu.dot_dimension_numbers<[0], [0], [1], [1], [0, 1, 1, 1], [], []>, transpose_lhs_hint = false} : vector<32x256xf32>, vector<32x1024xf32>, vector<256x1024xf32> -> vector<256x1024xf32>
    %reduce_max3A_167 = arith.constant dense<0xFF800000> : vector<1024xf32>
    %reduce_max3A_168 = vector.multi_reduction <maximumf>, %dot_general3A_166, %reduce_max3A_167 [0] : vector<256x1024xf32> to vector<1024xf32>
    %broadcast_in_dim3A_169 = vector.shape_cast %reduce_max3A_168 : vector<1024xf32> to vector<1x1024xf32>
    %eq3A_170 = vector.broadcast %broadcast_in_dim3A_169 : vector<1x1024xf32> to vector<256x1024xf32>
    %eq3A_171 = arith.cmpf oeq, %dot_general3A_166, %eq3A_170 : vector<256x1024xf32>
    %jit3A_172 = arith.constant 0x4B800000 : f32
    %broadcast_in_dim3A_173 = vector.broadcast %jit3A_172 : f32 to vector<256x1024xf32>
    %select_n3A_174 = arith.select %eq3A_171, %convert_element_type3A_10, %broadcast_in_dim3A_173 : vector<256x1024xi1>, vector<256x1024xf32>
    %reduce_min3A_175 = arith.constant dense<0x7F800000> : vector<1024xf32>
    %reduce_min3A_176 = vector.multi_reduction <minimumf>, %select_n3A_174, %reduce_min3A_175 [0] : vector<256x1024xf32> to vector<1024xf32>
    %broadcast_in_dim3A_177 = vector.shape_cast %reduce_min3A_176 : vector<1024xf32> to vector<1x1024xf32>
    %add3A_178 = arith.constant 1.792000e+03 : f32
    %add3A_179 = vector.broadcast %add3A_178 : f32 to vector<1x1024xf32>
    %add3A_180 = arith.addf %broadcast_in_dim3A_177, %add3A_179 : vector<1x1024xf32>
    %gt3A_181 = arith.cmpf ogt, %broadcast_in_dim3A_169, %select_n3A_160 : vector<1x1024xf32>
    %select_n3A_182 = arith.select %gt3A_181, %broadcast_in_dim3A_169, %select_n3A_160 : vector<1x1024xi1>, vector<1x1024xf32>
    %select_n3A_183 = arith.select %gt3A_181, %add3A_180, %select_n3A_161 : vector<1x1024xi1>, vector<1x1024xf32>
    %get3A_184 = arith.constant 0 : index
    %get3A_185 = arith.constant 2048 : index
    %get3A_186 = vector.load %arg4[%get3A_184, %get3A_185] : memref<32x8192xf32, #tpu.memory_space<vmem>>, vector<32x256xf32>
    %dot_general3A_187 = arith.constant dense<0.000000e+00> : vector<256x1024xf32>
    %dot_general3A_188 = tpu.matmul %get3A_186, %div3A_9, %dot_general3A_187 {dimension_numbers = #tpu.dot_dimension_numbers<[0], [0], [1], [1], [0, 1, 1, 1], [], []>, transpose_lhs_hint = false} : vector<32x256xf32>, vector<32x1024xf32>, vector<256x1024xf32> -> vector<256x1024xf32>
    %reduce_max3A_189 = arith.constant dense<0xFF800000> : vector<1024xf32>
    %reduce_max3A_190 = vector.multi_reduction <maximumf>, %dot_general3A_188, %reduce_max3A_189 [0] : vector<256x1024xf32> to vector<1024xf32>
    %broadcast_in_dim3A_191 = vector.shape_cast %reduce_max3A_190 : vector<1024xf32> to vector<1x1024xf32>
    %eq3A_192 = vector.broadcast %broadcast_in_dim3A_191 : vector<1x1024xf32> to vector<256x1024xf32>
    %eq3A_193 = arith.cmpf oeq, %dot_general3A_188, %eq3A_192 : vector<256x1024xf32>
    %jit3A_194 = arith.constant 0x4B800000 : f32
    %broadcast_in_dim3A_195 = vector.broadcast %jit3A_194 : f32 to vector<256x1024xf32>
    %select_n3A_196 = arith.select %eq3A_193, %convert_element_type3A_10, %broadcast_in_dim3A_195 : vector<256x1024xi1>, vector<256x1024xf32>
    %reduce_min3A_197 = arith.constant dense<0x7F800000> : vector<1024xf32>
    %reduce_min3A_198 = vector.multi_reduction <minimumf>, %select_n3A_196, %reduce_min3A_197 [0] : vector<256x1024xf32> to vector<1024xf32>
    %broadcast_in_dim3A_199 = vector.shape_cast %reduce_min3A_198 : vector<1024xf32> to vector<1x1024xf32>
    %add3A_200 = arith.constant 2.048000e+03 : f32
    %add3A_201 = vector.broadcast %add3A_200 : f32 to vector<1x1024xf32>
    %add3A_202 = arith.addf %broadcast_in_dim3A_199, %add3A_201 : vector<1x1024xf32>
    %gt3A_203 = arith.cmpf ogt, %broadcast_in_dim3A_191, %select_n3A_182 : vector<1x1024xf32>
    %select_n3A_204 = arith.select %gt3A_203, %broadcast_in_dim3A_191, %select_n3A_182 : vector<1x1024xi1>, vector<1x1024xf32>
    %select_n3A_205 = arith.select %gt3A_203, %add3A_202, %select_n3A_183 : vector<1x1024xi1>, vector<1x1024xf32>
    %get3A_206 = arith.constant 0 : index
    %get3A_207 = arith.constant 2304 : index
    %get3A_208 = vector.load %arg4[%get3A_206, %get3A_207] : memref<32x8192xf32, #tpu.memory_space<vmem>>, vector<32x256xf32>
    %dot_general3A_209 = arith.constant dense<0.000000e+00> : vector<256x1024xf32>
    %dot_general3A_210 = tpu.matmul %get3A_208, %div3A_9, %dot_general3A_209 {dimension_numbers = #tpu.dot_dimension_numbers<[0], [0], [1], [1], [0, 1, 1, 1], [], []>, transpose_lhs_hint = false} : vector<32x256xf32>, vector<32x1024xf32>, vector<256x1024xf32> -> vector<256x1024xf32>
    %reduce_max3A_211 = arith.constant dense<0xFF800000> : vector<1024xf32>
    %reduce_max3A_212 = vector.multi_reduction <maximumf>, %dot_general3A_210, %reduce_max3A_211 [0] : vector<256x1024xf32> to vector<1024xf32>
    %broadcast_in_dim3A_213 = vector.shape_cast %reduce_max3A_212 : vector<1024xf32> to vector<1x1024xf32>
    %eq3A_214 = vector.broadcast %broadcast_in_dim3A_213 : vector<1x1024xf32> to vector<256x1024xf32>
    %eq3A_215 = arith.cmpf oeq, %dot_general3A_210, %eq3A_214 : vector<256x1024xf32>
    %jit3A_216 = arith.constant 0x4B800000 : f32
    %broadcast_in_dim3A_217 = vector.broadcast %jit3A_216 : f32 to vector<256x1024xf32>
    %select_n3A_218 = arith.select %eq3A_215, %convert_element_type3A_10, %broadcast_in_dim3A_217 : vector<256x1024xi1>, vector<256x1024xf32>
    %reduce_min3A_219 = arith.constant dense<0x7F800000> : vector<1024xf32>
    %reduce_min3A_220 = vector.multi_reduction <minimumf>, %select_n3A_218, %reduce_min3A_219 [0] : vector<256x1024xf32> to vector<1024xf32>
    %broadcast_in_dim3A_221 = vector.shape_cast %reduce_min3A_220 : vector<1024xf32> to vector<1x1024xf32>
    %add3A_222 = arith.constant 2.304000e+03 : f32
    %add3A_223 = vector.broadcast %add3A_222 : f32 to vector<1x1024xf32>
    %add3A_224 = arith.addf %broadcast_in_dim3A_221, %add3A_223 : vector<1x1024xf32>
    %gt3A_225 = arith.cmpf ogt, %broadcast_in_dim3A_213, %select_n3A_204 : vector<1x1024xf32>
    %select_n3A_226 = arith.select %gt3A_225, %broadcast_in_dim3A_213, %select_n3A_204 : vector<1x1024xi1>, vector<1x1024xf32>
    %select_n3A_227 = arith.select %gt3A_225, %add3A_224, %select_n3A_205 : vector<1x1024xi1>, vector<1x1024xf32>
    %get3A_228 = arith.constant 0 : index
    %get3A_229 = arith.constant 2560 : index
    %get3A_230 = vector.load %arg4[%get3A_228, %get3A_229] : memref<32x8192xf32, #tpu.memory_space<vmem>>, vector<32x256xf32>
    %dot_general3A_231 = arith.constant dense<0.000000e+00> : vector<256x1024xf32>
    %dot_general3A_232 = tpu.matmul %get3A_230, %div3A_9, %dot_general3A_231 {dimension_numbers = #tpu.dot_dimension_numbers<[0], [0], [1], [1], [0, 1, 1, 1], [], []>, transpose_lhs_hint = false} : vector<32x256xf32>, vector<32x1024xf32>, vector<256x1024xf32> -> vector<256x1024xf32>
    %reduce_max3A_233 = arith.constant dense<0xFF800000> : vector<1024xf32>
    %reduce_max3A_234 = vector.multi_reduction <maximumf>, %dot_general3A_232, %reduce_max3A_233 [0] : vector<256x1024xf32> to vector<1024xf32>
    %broadcast_in_dim3A_235 = vector.shape_cast %reduce_max3A_234 : vector<1024xf32> to vector<1x1024xf32>
    %eq3A_236 = vector.broadcast %broadcast_in_dim3A_235 : vector<1x1024xf32> to vector<256x1024xf32>
    %eq3A_237 = arith.cmpf oeq, %dot_general3A_232, %eq3A_236 : vector<256x1024xf32>
    %jit3A_238 = arith.constant 0x4B800000 : f32
    %broadcast_in_dim3A_239 = vector.broadcast %jit3A_238 : f32 to vector<256x1024xf32>
    %select_n3A_240 = arith.select %eq3A_237, %convert_element_type3A_10, %broadcast_in_dim3A_239 : vector<256x1024xi1>, vector<256x1024xf32>
    %reduce_min3A_241 = arith.constant dense<0x7F800000> : vector<1024xf32>
    %reduce_min3A_242 = vector.multi_reduction <minimumf>, %select_n3A_240, %reduce_min3A_241 [0] : vector<256x1024xf32> to vector<1024xf32>
    %broadcast_in_dim3A_243 = vector.shape_cast %reduce_min3A_242 : vector<1024xf32> to vector<1x1024xf32>
    %add3A_244 = arith.constant 2.560000e+03 : f32
    %add3A_245 = vector.broadcast %add3A_244 : f32 to vector<1x1024xf32>
    %add3A_246 = arith.addf %broadcast_in_dim3A_243, %add3A_245 : vector<1x1024xf32>
    %gt3A_247 = arith.cmpf ogt, %broadcast_in_dim3A_235, %select_n3A_226 : vector<1x1024xf32>
    %select_n3A_248 = arith.select %gt3A_247, %broadcast_in_dim3A_235, %select_n3A_226 : vector<1x1024xi1>, vector<1x1024xf32>
    %select_n3A_249 = arith.select %gt3A_247, %add3A_246, %select_n3A_227 : vector<1x1024xi1>, vector<1x1024xf32>
    %get3A_250 = arith.constant 0 : index
    %get3A_251 = arith.constant 2816 : index
    %get3A_252 = vector.load %arg4[%get3A_250, %get3A_251] : memref<32x8192xf32, #tpu.memory_space<vmem>>, vector<32x256xf32>
    %dot_general3A_253 = arith.constant dense<0.000000e+00> : vector<256x1024xf32>
    %dot_general3A_254 = tpu.matmul %get3A_252, %div3A_9, %dot_general3A_253 {dimension_numbers = #tpu.dot_dimension_numbers<[0], [0], [1], [1], [0, 1, 1, 1], [], []>, transpose_lhs_hint = false} : vector<32x256xf32>, vector<32x1024xf32>, vector<256x1024xf32> -> vector<256x1024xf32>
    %reduce_max3A_255 = arith.constant dense<0xFF800000> : vector<1024xf32>
    %reduce_max3A_256 = vector.multi_reduction <maximumf>, %dot_general3A_254, %reduce_max3A_255 [0] : vector<256x1024xf32> to vector<1024xf32>
    %broadcast_in_dim3A_257 = vector.shape_cast %reduce_max3A_256 : vector<1024xf32> to vector<1x1024xf32>
    %eq3A_258 = vector.broadcast %broadcast_in_dim3A_257 : vector<1x1024xf32> to vector<256x1024xf32>
    %eq3A_259 = arith.cmpf oeq, %dot_general3A_254, %eq3A_258 : vector<256x1024xf32>
    %jit3A_260 = arith.constant 0x4B800000 : f32
    %broadcast_in_dim3A_261 = vector.broadcast %jit3A_260 : f32 to vector<256x1024xf32>
    %select_n3A_262 = arith.select %eq3A_259, %convert_element_type3A_10, %broadcast_in_dim3A_261 : vector<256x1024xi1>, vector<256x1024xf32>
    %reduce_min3A_263 = arith.constant dense<0x7F800000> : vector<1024xf32>
    %reduce_min3A_264 = vector.multi_reduction <minimumf>, %select_n3A_262, %reduce_min3A_263 [0] : vector<256x1024xf32> to vector<1024xf32>
    %broadcast_in_dim3A_265 = vector.shape_cast %reduce_min3A_264 : vector<1024xf32> to vector<1x1024xf32>
    %add3A_266 = arith.constant 2.816000e+03 : f32
    %add3A_267 = vector.broadcast %add3A_266 : f32 to vector<1x1024xf32>
    %add3A_268 = arith.addf %broadcast_in_dim3A_265, %add3A_267 : vector<1x1024xf32>
    %gt3A_269 = arith.cmpf ogt, %broadcast_in_dim3A_257, %select_n3A_248 : vector<1x1024xf32>
    %select_n3A_270 = arith.select %gt3A_269, %broadcast_in_dim3A_257, %select_n3A_248 : vector<1x1024xi1>, vector<1x1024xf32>
    %select_n3A_271 = arith.select %gt3A_269, %add3A_268, %select_n3A_249 : vector<1x1024xi1>, vector<1x1024xf32>
    %get3A_272 = arith.constant 0 : index
    %get3A_273 = arith.constant 3072 : index
    %get3A_274 = vector.load %arg4[%get3A_272, %get3A_273] : memref<32x8192xf32, #tpu.memory_space<vmem>>, vector<32x256xf32>
    %dot_general3A_275 = arith.constant dense<0.000000e+00> : vector<256x1024xf32>
    %dot_general3A_276 = tpu.matmul %get3A_274, %div3A_9, %dot_general3A_275 {dimension_numbers = #tpu.dot_dimension_numbers<[0], [0], [1], [1], [0, 1, 1, 1], [], []>, transpose_lhs_hint = false} : vector<32x256xf32>, vector<32x1024xf32>, vector<256x1024xf32> -> vector<256x1024xf32>
    %reduce_max3A_277 = arith.constant dense<0xFF800000> : vector<1024xf32>
    %reduce_max3A_278 = vector.multi_reduction <maximumf>, %dot_general3A_276, %reduce_max3A_277 [0] : vector<256x1024xf32> to vector<1024xf32>
    %broadcast_in_dim3A_279 = vector.shape_cast %reduce_max3A_278 : vector<1024xf32> to vector<1x1024xf32>
    %eq3A_280 = vector.broadcast %broadcast_in_dim3A_279 : vector<1x1024xf32> to vector<256x1024xf32>
    %eq3A_281 = arith.cmpf oeq, %dot_general3A_276, %eq3A_280 : vector<256x1024xf32>
    %jit3A_282 = arith.constant 0x4B800000 : f32
    %broadcast_in_dim3A_283 = vector.broadcast %jit3A_282 : f32 to vector<256x1024xf32>
    %select_n3A_284 = arith.select %eq3A_281, %convert_element_type3A_10, %broadcast_in_dim3A_283 : vector<256x1024xi1>, vector<256x1024xf32>
    %reduce_min3A_285 = arith.constant dense<0x7F800000> : vector<1024xf32>
    %reduce_min3A_286 = vector.multi_reduction <minimumf>, %select_n3A_284, %reduce_min3A_285 [0] : vector<256x1024xf32> to vector<1024xf32>
    %broadcast_in_dim3A_287 = vector.shape_cast %reduce_min3A_286 : vector<1024xf32> to vector<1x1024xf32>
    %add3A_288 = arith.constant 3.072000e+03 : f32
    %add3A_289 = vector.broadcast %add3A_288 : f32 to vector<1x1024xf32>
    %add3A_290 = arith.addf %broadcast_in_dim3A_287, %add3A_289 : vector<1x1024xf32>
    %gt3A_291 = arith.cmpf ogt, %broadcast_in_dim3A_279, %select_n3A_270 : vector<1x1024xf32>
    %select_n3A_292 = arith.select %gt3A_291, %broadcast_in_dim3A_279, %select_n3A_270 : vector<1x1024xi1>, vector<1x1024xf32>
    %select_n3A_293 = arith.select %gt3A_291, %add3A_290, %select_n3A_271 : vector<1x1024xi1>, vector<1x1024xf32>
    %get3A_294 = arith.constant 0 : index
    %get3A_295 = arith.constant 3328 : index
    %get3A_296 = vector.load %arg4[%get3A_294, %get3A_295] : memref<32x8192xf32, #tpu.memory_space<vmem>>, vector<32x256xf32>
    %dot_general3A_297 = arith.constant dense<0.000000e+00> : vector<256x1024xf32>
    %dot_general3A_298 = tpu.matmul %get3A_296, %div3A_9, %dot_general3A_297 {dimension_numbers = #tpu.dot_dimension_numbers<[0], [0], [1], [1], [0, 1, 1, 1], [], []>, transpose_lhs_hint = false} : vector<32x256xf32>, vector<32x1024xf32>, vector<256x1024xf32> -> vector<256x1024xf32>
    %reduce_max3A_299 = arith.constant dense<0xFF800000> : vector<1024xf32>
    %reduce_max3A_300 = vector.multi_reduction <maximumf>, %dot_general3A_298, %reduce_max3A_299 [0] : vector<256x1024xf32> to vector<1024xf32>
    %broadcast_in_dim3A_301 = vector.shape_cast %reduce_max3A_300 : vector<1024xf32> to vector<1x1024xf32>
    %eq3A_302 = vector.broadcast %broadcast_in_dim3A_301 : vector<1x1024xf32> to vector<256x1024xf32>
    %eq3A_303 = arith.cmpf oeq, %dot_general3A_298, %eq3A_302 : vector<256x1024xf32>
    %jit3A_304 = arith.constant 0x4B800000 : f32
    %broadcast_in_dim3A_305 = vector.broadcast %jit3A_304 : f32 to vector<256x1024xf32>
    %select_n3A_306 = arith.select %eq3A_303, %convert_element_type3A_10, %broadcast_in_dim3A_305 : vector<256x1024xi1>, vector<256x1024xf32>
    %reduce_min3A_307 = arith.constant dense<0x7F800000> : vector<1024xf32>
    %reduce_min3A_308 = vector.multi_reduction <minimumf>, %select_n3A_306, %reduce_min3A_307 [0] : vector<256x1024xf32> to vector<1024xf32>
    %broadcast_in_dim3A_309 = vector.shape_cast %reduce_min3A_308 : vector<1024xf32> to vector<1x1024xf32>
    %add3A_310 = arith.constant 3.328000e+03 : f32
    %add3A_311 = vector.broadcast %add3A_310 : f32 to vector<1x1024xf32>
    %add3A_312 = arith.addf %broadcast_in_dim3A_309, %add3A_311 : vector<1x1024xf32>
    %gt3A_313 = arith.cmpf ogt, %broadcast_in_dim3A_301, %select_n3A_292 : vector<1x1024xf32>
    %select_n3A_314 = arith.select %gt3A_313, %broadcast_in_dim3A_301, %select_n3A_292 : vector<1x1024xi1>, vector<1x1024xf32>
    %select_n3A_315 = arith.select %gt3A_313, %add3A_312, %select_n3A_293 : vector<1x1024xi1>, vector<1x1024xf32>
    %get3A_316 = arith.constant 0 : index
    %get3A_317 = arith.constant 3584 : index
    %get3A_318 = vector.load %arg4[%get3A_316, %get3A_317] : memref<32x8192xf32, #tpu.memory_space<vmem>>, vector<32x256xf32>
    %dot_general3A_319 = arith.constant dense<0.000000e+00> : vector<256x1024xf32>
    %dot_general3A_320 = tpu.matmul %get3A_318, %div3A_9, %dot_general3A_319 {dimension_numbers = #tpu.dot_dimension_numbers<[0], [0], [1], [1], [0, 1, 1, 1], [], []>, transpose_lhs_hint = false} : vector<32x256xf32>, vector<32x1024xf32>, vector<256x1024xf32> -> vector<256x1024xf32>
    %reduce_max3A_321 = arith.constant dense<0xFF800000> : vector<1024xf32>
    %reduce_max3A_322 = vector.multi_reduction <maximumf>, %dot_general3A_320, %reduce_max3A_321 [0] : vector<256x1024xf32> to vector<1024xf32>
    %broadcast_in_dim3A_323 = vector.shape_cast %reduce_max3A_322 : vector<1024xf32> to vector<1x1024xf32>
    %eq3A_324 = vector.broadcast %broadcast_in_dim3A_323 : vector<1x1024xf32> to vector<256x1024xf32>
    %eq3A_325 = arith.cmpf oeq, %dot_general3A_320, %eq3A_324 : vector<256x1024xf32>
    %jit3A_326 = arith.constant 0x4B800000 : f32
    %broadcast_in_dim3A_327 = vector.broadcast %jit3A_326 : f32 to vector<256x1024xf32>
    %select_n3A_328 = arith.select %eq3A_325, %convert_element_type3A_10, %broadcast_in_dim3A_327 : vector<256x1024xi1>, vector<256x1024xf32>
    %reduce_min3A_329 = arith.constant dense<0x7F800000> : vector<1024xf32>
    %reduce_min3A_330 = vector.multi_reduction <minimumf>, %select_n3A_328, %reduce_min3A_329 [0] : vector<256x1024xf32> to vector<1024xf32>
    %broadcast_in_dim3A_331 = vector.shape_cast %reduce_min3A_330 : vector<1024xf32> to vector<1x1024xf32>
    %add3A_332 = arith.constant 3.584000e+03 : f32
    %add3A_333 = vector.broadcast %add3A_332 : f32 to vector<1x1024xf32>
    %add3A_334 = arith.addf %broadcast_in_dim3A_331, %add3A_333 : vector<1x1024xf32>
    %gt3A_335 = arith.cmpf ogt, %broadcast_in_dim3A_323, %select_n3A_314 : vector<1x1024xf32>
    %select_n3A_336 = arith.select %gt3A_335, %broadcast_in_dim3A_323, %select_n3A_314 : vector<1x1024xi1>, vector<1x1024xf32>
    %select_n3A_337 = arith.select %gt3A_335, %add3A_334, %select_n3A_315 : vector<1x1024xi1>, vector<1x1024xf32>
    %get3A_338 = arith.constant 0 : index
    %get3A_339 = arith.constant 3840 : index
    %get3A_340 = vector.load %arg4[%get3A_338, %get3A_339] : memref<32x8192xf32, #tpu.memory_space<vmem>>, vector<32x256xf32>
    %dot_general3A_341 = arith.constant dense<0.000000e+00> : vector<256x1024xf32>
    %dot_general3A_342 = tpu.matmul %get3A_340, %div3A_9, %dot_general3A_341 {dimension_numbers = #tpu.dot_dimension_numbers<[0], [0], [1], [1], [0, 1, 1, 1], [], []>, transpose_lhs_hint = false} : vector<32x256xf32>, vector<32x1024xf32>, vector<256x1024xf32> -> vector<256x1024xf32>
    %reduce_max3A_343 = arith.constant dense<0xFF800000> : vector<1024xf32>
    %reduce_max3A_344 = vector.multi_reduction <maximumf>, %dot_general3A_342, %reduce_max3A_343 [0] : vector<256x1024xf32> to vector<1024xf32>
    %broadcast_in_dim3A_345 = vector.shape_cast %reduce_max3A_344 : vector<1024xf32> to vector<1x1024xf32>
    %eq3A_346 = vector.broadcast %broadcast_in_dim3A_345 : vector<1x1024xf32> to vector<256x1024xf32>
    %eq3A_347 = arith.cmpf oeq, %dot_general3A_342, %eq3A_346 : vector<256x1024xf32>
    %jit3A_348 = arith.constant 0x4B800000 : f32
    %broadcast_in_dim3A_349 = vector.broadcast %jit3A_348 : f32 to vector<256x1024xf32>
    %select_n3A_350 = arith.select %eq3A_347, %convert_element_type3A_10, %broadcast_in_dim3A_349 : vector<256x1024xi1>, vector<256x1024xf32>
    %reduce_min3A_351 = arith.constant dense<0x7F800000> : vector<1024xf32>
    %reduce_min3A_352 = vector.multi_reduction <minimumf>, %select_n3A_350, %reduce_min3A_351 [0] : vector<256x1024xf32> to vector<1024xf32>
    %broadcast_in_dim3A_353 = vector.shape_cast %reduce_min3A_352 : vector<1024xf32> to vector<1x1024xf32>
    %add3A_354 = arith.constant 3.840000e+03 : f32
    %add3A_355 = vector.broadcast %add3A_354 : f32 to vector<1x1024xf32>
    %add3A_356 = arith.addf %broadcast_in_dim3A_353, %add3A_355 : vector<1x1024xf32>
    %gt3A_357 = arith.cmpf ogt, %broadcast_in_dim3A_345, %select_n3A_336 : vector<1x1024xf32>
    %select_n3A_358 = arith.select %gt3A_357, %broadcast_in_dim3A_345, %select_n3A_336 : vector<1x1024xi1>, vector<1x1024xf32>
    %select_n3A_359 = arith.select %gt3A_357, %add3A_356, %select_n3A_337 : vector<1x1024xi1>, vector<1x1024xf32>
    %get3A_360 = arith.constant 0 : index
    %get3A_361 = arith.constant 4096 : index
    %get3A_362 = vector.load %arg4[%get3A_360, %get3A_361] : memref<32x8192xf32, #tpu.memory_space<vmem>>, vector<32x256xf32>
    %dot_general3A_363 = arith.constant dense<0.000000e+00> : vector<256x1024xf32>
    %dot_general3A_364 = tpu.matmul %get3A_362, %div3A_9, %dot_general3A_363 {dimension_numbers = #tpu.dot_dimension_numbers<[0], [0], [1], [1], [0, 1, 1, 1], [], []>, transpose_lhs_hint = false} : vector<32x256xf32>, vector<32x1024xf32>, vector<256x1024xf32> -> vector<256x1024xf32>
    %reduce_max3A_365 = arith.constant dense<0xFF800000> : vector<1024xf32>
    %reduce_max3A_366 = vector.multi_reduction <maximumf>, %dot_general3A_364, %reduce_max3A_365 [0] : vector<256x1024xf32> to vector<1024xf32>
    %broadcast_in_dim3A_367 = vector.shape_cast %reduce_max3A_366 : vector<1024xf32> to vector<1x1024xf32>
    %eq3A_368 = vector.broadcast %broadcast_in_dim3A_367 : vector<1x1024xf32> to vector<256x1024xf32>
    %eq3A_369 = arith.cmpf oeq, %dot_general3A_364, %eq3A_368 : vector<256x1024xf32>
    %jit3A_370 = arith.constant 0x4B800000 : f32
    %broadcast_in_dim3A_371 = vector.broadcast %jit3A_370 : f32 to vector<256x1024xf32>
    %select_n3A_372 = arith.select %eq3A_369, %convert_element_type3A_10, %broadcast_in_dim3A_371 : vector<256x1024xi1>, vector<256x1024xf32>
    %reduce_min3A_373 = arith.constant dense<0x7F800000> : vector<1024xf32>
    %reduce_min3A_374 = vector.multi_reduction <minimumf>, %select_n3A_372, %reduce_min3A_373 [0] : vector<256x1024xf32> to vector<1024xf32>
    %broadcast_in_dim3A_375 = vector.shape_cast %reduce_min3A_374 : vector<1024xf32> to vector<1x1024xf32>
    %add3A_376 = arith.constant 4.096000e+03 : f32
    %add3A_377 = vector.broadcast %add3A_376 : f32 to vector<1x1024xf32>
    %add3A_378 = arith.addf %broadcast_in_dim3A_375, %add3A_377 : vector<1x1024xf32>
    %gt3A_379 = arith.cmpf ogt, %broadcast_in_dim3A_367, %select_n3A_358 : vector<1x1024xf32>
    %select_n3A_380 = arith.select %gt3A_379, %broadcast_in_dim3A_367, %select_n3A_358 : vector<1x1024xi1>, vector<1x1024xf32>
    %select_n3A_381 = arith.select %gt3A_379, %add3A_378, %select_n3A_359 : vector<1x1024xi1>, vector<1x1024xf32>
    %get3A_382 = arith.constant 0 : index
    %get3A_383 = arith.constant 4352 : index
    %get3A_384 = vector.load %arg4[%get3A_382, %get3A_383] : memref<32x8192xf32, #tpu.memory_space<vmem>>, vector<32x256xf32>
    %dot_general3A_385 = arith.constant dense<0.000000e+00> : vector<256x1024xf32>
    %dot_general3A_386 = tpu.matmul %get3A_384, %div3A_9, %dot_general3A_385 {dimension_numbers = #tpu.dot_dimension_numbers<[0], [0], [1], [1], [0, 1, 1, 1], [], []>, transpose_lhs_hint = false} : vector<32x256xf32>, vector<32x1024xf32>, vector<256x1024xf32> -> vector<256x1024xf32>
    %reduce_max3A_387 = arith.constant dense<0xFF800000> : vector<1024xf32>
    %reduce_max3A_388 = vector.multi_reduction <maximumf>, %dot_general3A_386, %reduce_max3A_387 [0] : vector<256x1024xf32> to vector<1024xf32>
    %broadcast_in_dim3A_389 = vector.shape_cast %reduce_max3A_388 : vector<1024xf32> to vector<1x1024xf32>
    %eq3A_390 = vector.broadcast %broadcast_in_dim3A_389 : vector<1x1024xf32> to vector<256x1024xf32>
    %eq3A_391 = arith.cmpf oeq, %dot_general3A_386, %eq3A_390 : vector<256x1024xf32>
    %jit3A_392 = arith.constant 0x4B800000 : f32
    %broadcast_in_dim3A_393 = vector.broadcast %jit3A_392 : f32 to vector<256x1024xf32>
    %select_n3A_394 = arith.select %eq3A_391, %convert_element_type3A_10, %broadcast_in_dim3A_393 : vector<256x1024xi1>, vector<256x1024xf32>
    %reduce_min3A_395 = arith.constant dense<0x7F800000> : vector<1024xf32>
    %reduce_min3A_396 = vector.multi_reduction <minimumf>, %select_n3A_394, %reduce_min3A_395 [0] : vector<256x1024xf32> to vector<1024xf32>
    %broadcast_in_dim3A_397 = vector.shape_cast %reduce_min3A_396 : vector<1024xf32> to vector<1x1024xf32>
    %add3A_398 = arith.constant 4.352000e+03 : f32
    %add3A_399 = vector.broadcast %add3A_398 : f32 to vector<1x1024xf32>
    %add3A_400 = arith.addf %broadcast_in_dim3A_397, %add3A_399 : vector<1x1024xf32>
    %gt3A_401 = arith.cmpf ogt, %broadcast_in_dim3A_389, %select_n3A_380 : vector<1x1024xf32>
    %select_n3A_402 = arith.select %gt3A_401, %broadcast_in_dim3A_389, %select_n3A_380 : vector<1x1024xi1>, vector<1x1024xf32>
    %select_n3A_403 = arith.select %gt3A_401, %add3A_400, %select_n3A_381 : vector<1x1024xi1>, vector<1x1024xf32>
    %get3A_404 = arith.constant 0 : index
    %get3A_405 = arith.constant 4608 : index
    %get3A_406 = vector.load %arg4[%get3A_404, %get3A_405] : memref<32x8192xf32, #tpu.memory_space<vmem>>, vector<32x256xf32>
    %dot_general3A_407 = arith.constant dense<0.000000e+00> : vector<256x1024xf32>
    %dot_general3A_408 = tpu.matmul %get3A_406, %div3A_9, %dot_general3A_407 {dimension_numbers = #tpu.dot_dimension_numbers<[0], [0], [1], [1], [0, 1, 1, 1], [], []>, transpose_lhs_hint = false} : vector<32x256xf32>, vector<32x1024xf32>, vector<256x1024xf32> -> vector<256x1024xf32>
    %reduce_max3A_409 = arith.constant dense<0xFF800000> : vector<1024xf32>
    %reduce_max3A_410 = vector.multi_reduction <maximumf>, %dot_general3A_408, %reduce_max3A_409 [0] : vector<256x1024xf32> to vector<1024xf32>
    %broadcast_in_dim3A_411 = vector.shape_cast %reduce_max3A_410 : vector<1024xf32> to vector<1x1024xf32>
    %eq3A_412 = vector.broadcast %broadcast_in_dim3A_411 : vector<1x1024xf32> to vector<256x1024xf32>
    %eq3A_413 = arith.cmpf oeq, %dot_general3A_408, %eq3A_412 : vector<256x1024xf32>
    %jit3A_414 = arith.constant 0x4B800000 : f32
    %broadcast_in_dim3A_415 = vector.broadcast %jit3A_414 : f32 to vector<256x1024xf32>
    %select_n3A_416 = arith.select %eq3A_413, %convert_element_type3A_10, %broadcast_in_dim3A_415 : vector<256x1024xi1>, vector<256x1024xf32>
    %reduce_min3A_417 = arith.constant dense<0x7F800000> : vector<1024xf32>
    %reduce_min3A_418 = vector.multi_reduction <minimumf>, %select_n3A_416, %reduce_min3A_417 [0] : vector<256x1024xf32> to vector<1024xf32>
    %broadcast_in_dim3A_419 = vector.shape_cast %reduce_min3A_418 : vector<1024xf32> to vector<1x1024xf32>
    %add3A_420 = arith.constant 4.608000e+03 : f32
    %add3A_421 = vector.broadcast %add3A_420 : f32 to vector<1x1024xf32>
    %add3A_422 = arith.addf %broadcast_in_dim3A_419, %add3A_421 : vector<1x1024xf32>
    %gt3A_423 = arith.cmpf ogt, %broadcast_in_dim3A_411, %select_n3A_402 : vector<1x1024xf32>
    %select_n3A_424 = arith.select %gt3A_423, %broadcast_in_dim3A_411, %select_n3A_402 : vector<1x1024xi1>, vector<1x1024xf32>
    %select_n3A_425 = arith.select %gt3A_423, %add3A_422, %select_n3A_403 : vector<1x1024xi1>, vector<1x1024xf32>
    %get3A_426 = arith.constant 0 : index
    %get3A_427 = arith.constant 4864 : index
    %get3A_428 = vector.load %arg4[%get3A_426, %get3A_427] : memref<32x8192xf32, #tpu.memory_space<vmem>>, vector<32x256xf32>
    %dot_general3A_429 = arith.constant dense<0.000000e+00> : vector<256x1024xf32>
    %dot_general3A_430 = tpu.matmul %get3A_428, %div3A_9, %dot_general3A_429 {dimension_numbers = #tpu.dot_dimension_numbers<[0], [0], [1], [1], [0, 1, 1, 1], [], []>, transpose_lhs_hint = false} : vector<32x256xf32>, vector<32x1024xf32>, vector<256x1024xf32> -> vector<256x1024xf32>
    %reduce_max3A_431 = arith.constant dense<0xFF800000> : vector<1024xf32>
    %reduce_max3A_432 = vector.multi_reduction <maximumf>, %dot_general3A_430, %reduce_max3A_431 [0] : vector<256x1024xf32> to vector<1024xf32>
    %broadcast_in_dim3A_433 = vector.shape_cast %reduce_max3A_432 : vector<1024xf32> to vector<1x1024xf32>
    %eq3A_434 = vector.broadcast %broadcast_in_dim3A_433 : vector<1x1024xf32> to vector<256x1024xf32>
    %eq3A_435 = arith.cmpf oeq, %dot_general3A_430, %eq3A_434 : vector<256x1024xf32>
    %jit3A_436 = arith.constant 0x4B800000 : f32
    %broadcast_in_dim3A_437 = vector.broadcast %jit3A_436 : f32 to vector<256x1024xf32>
    %select_n3A_438 = arith.select %eq3A_435, %convert_element_type3A_10, %broadcast_in_dim3A_437 : vector<256x1024xi1>, vector<256x1024xf32>
    %reduce_min3A_439 = arith.constant dense<0x7F800000> : vector<1024xf32>
    %reduce_min3A_440 = vector.multi_reduction <minimumf>, %select_n3A_438, %reduce_min3A_439 [0] : vector<256x1024xf32> to vector<1024xf32>
    %broadcast_in_dim3A_441 = vector.shape_cast %reduce_min3A_440 : vector<1024xf32> to vector<1x1024xf32>
    %add3A_442 = arith.constant 4.864000e+03 : f32
    %add3A_443 = vector.broadcast %add3A_442 : f32 to vector<1x1024xf32>
    %add3A_444 = arith.addf %broadcast_in_dim3A_441, %add3A_443 : vector<1x1024xf32>
    %gt3A_445 = arith.cmpf ogt, %broadcast_in_dim3A_433, %select_n3A_424 : vector<1x1024xf32>
    %select_n3A_446 = arith.select %gt3A_445, %broadcast_in_dim3A_433, %select_n3A_424 : vector<1x1024xi1>, vector<1x1024xf32>
    %select_n3A_447 = arith.select %gt3A_445, %add3A_444, %select_n3A_425 : vector<1x1024xi1>, vector<1x1024xf32>
    %get3A_448 = arith.constant 0 : index
    %get3A_449 = arith.constant 5120 : index
    %get3A_450 = vector.load %arg4[%get3A_448, %get3A_449] : memref<32x8192xf32, #tpu.memory_space<vmem>>, vector<32x256xf32>
    %dot_general3A_451 = arith.constant dense<0.000000e+00> : vector<256x1024xf32>
    %dot_general3A_452 = tpu.matmul %get3A_450, %div3A_9, %dot_general3A_451 {dimension_numbers = #tpu.dot_dimension_numbers<[0], [0], [1], [1], [0, 1, 1, 1], [], []>, transpose_lhs_hint = false} : vector<32x256xf32>, vector<32x1024xf32>, vector<256x1024xf32> -> vector<256x1024xf32>
    %reduce_max3A_453 = arith.constant dense<0xFF800000> : vector<1024xf32>
    %reduce_max3A_454 = vector.multi_reduction <maximumf>, %dot_general3A_452, %reduce_max3A_453 [0] : vector<256x1024xf32> to vector<1024xf32>
    %broadcast_in_dim3A_455 = vector.shape_cast %reduce_max3A_454 : vector<1024xf32> to vector<1x1024xf32>
    %eq3A_456 = vector.broadcast %broadcast_in_dim3A_455 : vector<1x1024xf32> to vector<256x1024xf32>
    %eq3A_457 = arith.cmpf oeq, %dot_general3A_452, %eq3A_456 : vector<256x1024xf32>
    %jit3A_458 = arith.constant 0x4B800000 : f32
    %broadcast_in_dim3A_459 = vector.broadcast %jit3A_458 : f32 to vector<256x1024xf32>
    %select_n3A_460 = arith.select %eq3A_457, %convert_element_type3A_10, %broadcast_in_dim3A_459 : vector<256x1024xi1>, vector<256x1024xf32>
    %reduce_min3A_461 = arith.constant dense<0x7F800000> : vector<1024xf32>
    %reduce_min3A_462 = vector.multi_reduction <minimumf>, %select_n3A_460, %reduce_min3A_461 [0] : vector<256x1024xf32> to vector<1024xf32>
    %broadcast_in_dim3A_463 = vector.shape_cast %reduce_min3A_462 : vector<1024xf32> to vector<1x1024xf32>
    %add3A_464 = arith.constant 5.120000e+03 : f32
    %add3A_465 = vector.broadcast %add3A_464 : f32 to vector<1x1024xf32>
    %add3A_466 = arith.addf %broadcast_in_dim3A_463, %add3A_465 : vector<1x1024xf32>
    %gt3A_467 = arith.cmpf ogt, %broadcast_in_dim3A_455, %select_n3A_446 : vector<1x1024xf32>
    %select_n3A_468 = arith.select %gt3A_467, %broadcast_in_dim3A_455, %select_n3A_446 : vector<1x1024xi1>, vector<1x1024xf32>
    %select_n3A_469 = arith.select %gt3A_467, %add3A_466, %select_n3A_447 : vector<1x1024xi1>, vector<1x1024xf32>
    %get3A_470 = arith.constant 0 : index
    %get3A_471 = arith.constant 5376 : index
    %get3A_472 = vector.load %arg4[%get3A_470, %get3A_471] : memref<32x8192xf32, #tpu.memory_space<vmem>>, vector<32x256xf32>
    %dot_general3A_473 = arith.constant dense<0.000000e+00> : vector<256x1024xf32>
    %dot_general3A_474 = tpu.matmul %get3A_472, %div3A_9, %dot_general3A_473 {dimension_numbers = #tpu.dot_dimension_numbers<[0], [0], [1], [1], [0, 1, 1, 1], [], []>, transpose_lhs_hint = false} : vector<32x256xf32>, vector<32x1024xf32>, vector<256x1024xf32> -> vector<256x1024xf32>
    %reduce_max3A_475 = arith.constant dense<0xFF800000> : vector<1024xf32>
    %reduce_max3A_476 = vector.multi_reduction <maximumf>, %dot_general3A_474, %reduce_max3A_475 [0] : vector<256x1024xf32> to vector<1024xf32>
    %broadcast_in_dim3A_477 = vector.shape_cast %reduce_max3A_476 : vector<1024xf32> to vector<1x1024xf32>
    %eq3A_478 = vector.broadcast %broadcast_in_dim3A_477 : vector<1x1024xf32> to vector<256x1024xf32>
    %eq3A_479 = arith.cmpf oeq, %dot_general3A_474, %eq3A_478 : vector<256x1024xf32>
    %jit3A_480 = arith.constant 0x4B800000 : f32
    %broadcast_in_dim3A_481 = vector.broadcast %jit3A_480 : f32 to vector<256x1024xf32>
    %select_n3A_482 = arith.select %eq3A_479, %convert_element_type3A_10, %broadcast_in_dim3A_481 : vector<256x1024xi1>, vector<256x1024xf32>
    %reduce_min3A_483 = arith.constant dense<0x7F800000> : vector<1024xf32>
    %reduce_min3A_484 = vector.multi_reduction <minimumf>, %select_n3A_482, %reduce_min3A_483 [0] : vector<256x1024xf32> to vector<1024xf32>
    %broadcast_in_dim3A_485 = vector.shape_cast %reduce_min3A_484 : vector<1024xf32> to vector<1x1024xf32>
    %add3A_486 = arith.constant 5.376000e+03 : f32
    %add3A_487 = vector.broadcast %add3A_486 : f32 to vector<1x1024xf32>
    %add3A_488 = arith.addf %broadcast_in_dim3A_485, %add3A_487 : vector<1x1024xf32>
    %gt3A_489 = arith.cmpf ogt, %broadcast_in_dim3A_477, %select_n3A_468 : vector<1x1024xf32>
    %select_n3A_490 = arith.select %gt3A_489, %broadcast_in_dim3A_477, %select_n3A_468 : vector<1x1024xi1>, vector<1x1024xf32>
    %select_n3A_491 = arith.select %gt3A_489, %add3A_488, %select_n3A_469 : vector<1x1024xi1>, vector<1x1024xf32>
    %get3A_492 = arith.constant 0 : index
    %get3A_493 = arith.constant 5632 : index
    %get3A_494 = vector.load %arg4[%get3A_492, %get3A_493] : memref<32x8192xf32, #tpu.memory_space<vmem>>, vector<32x256xf32>
    %dot_general3A_495 = arith.constant dense<0.000000e+00> : vector<256x1024xf32>
    %dot_general3A_496 = tpu.matmul %get3A_494, %div3A_9, %dot_general3A_495 {dimension_numbers = #tpu.dot_dimension_numbers<[0], [0], [1], [1], [0, 1, 1, 1], [], []>, transpose_lhs_hint = false} : vector<32x256xf32>, vector<32x1024xf32>, vector<256x1024xf32> -> vector<256x1024xf32>
    %reduce_max3A_497 = arith.constant dense<0xFF800000> : vector<1024xf32>
    %reduce_max3A_498 = vector.multi_reduction <maximumf>, %dot_general3A_496, %reduce_max3A_497 [0] : vector<256x1024xf32> to vector<1024xf32>
    %broadcast_in_dim3A_499 = vector.shape_cast %reduce_max3A_498 : vector<1024xf32> to vector<1x1024xf32>
    %eq3A_500 = vector.broadcast %broadcast_in_dim3A_499 : vector<1x1024xf32> to vector<256x1024xf32>
    %eq3A_501 = arith.cmpf oeq, %dot_general3A_496, %eq3A_500 : vector<256x1024xf32>
    %jit3A_502 = arith.constant 0x4B800000 : f32
    %broadcast_in_dim3A_503 = vector.broadcast %jit3A_502 : f32 to vector<256x1024xf32>
    %select_n3A_504 = arith.select %eq3A_501, %convert_element_type3A_10, %broadcast_in_dim3A_503 : vector<256x1024xi1>, vector<256x1024xf32>
    %reduce_min3A_505 = arith.constant dense<0x7F800000> : vector<1024xf32>
    %reduce_min3A_506 = vector.multi_reduction <minimumf>, %select_n3A_504, %reduce_min3A_505 [0] : vector<256x1024xf32> to vector<1024xf32>
    %broadcast_in_dim3A_507 = vector.shape_cast %reduce_min3A_506 : vector<1024xf32> to vector<1x1024xf32>
    %add3A_508 = arith.constant 5.632000e+03 : f32
    %add3A_509 = vector.broadcast %add3A_508 : f32 to vector<1x1024xf32>
    %add3A_510 = arith.addf %broadcast_in_dim3A_507, %add3A_509 : vector<1x1024xf32>
    %gt3A_511 = arith.cmpf ogt, %broadcast_in_dim3A_499, %select_n3A_490 : vector<1x1024xf32>
    %select_n3A_512 = arith.select %gt3A_511, %broadcast_in_dim3A_499, %select_n3A_490 : vector<1x1024xi1>, vector<1x1024xf32>
    %select_n3A_513 = arith.select %gt3A_511, %add3A_510, %select_n3A_491 : vector<1x1024xi1>, vector<1x1024xf32>
    %get3A_514 = arith.constant 0 : index
    %get3A_515 = arith.constant 5888 : index
    %get3A_516 = vector.load %arg4[%get3A_514, %get3A_515] : memref<32x8192xf32, #tpu.memory_space<vmem>>, vector<32x256xf32>
    %dot_general3A_517 = arith.constant dense<0.000000e+00> : vector<256x1024xf32>
    %dot_general3A_518 = tpu.matmul %get3A_516, %div3A_9, %dot_general3A_517 {dimension_numbers = #tpu.dot_dimension_numbers<[0], [0], [1], [1], [0, 1, 1, 1], [], []>, transpose_lhs_hint = false} : vector<32x256xf32>, vector<32x1024xf32>, vector<256x1024xf32> -> vector<256x1024xf32>
    %reduce_max3A_519 = arith.constant dense<0xFF800000> : vector<1024xf32>
    %reduce_max3A_520 = vector.multi_reduction <maximumf>, %dot_general3A_518, %reduce_max3A_519 [0] : vector<256x1024xf32> to vector<1024xf32>
    %broadcast_in_dim3A_521 = vector.shape_cast %reduce_max3A_520 : vector<1024xf32> to vector<1x1024xf32>
    %eq3A_522 = vector.broadcast %broadcast_in_dim3A_521 : vector<1x1024xf32> to vector<256x1024xf32>
    %eq3A_523 = arith.cmpf oeq, %dot_general3A_518, %eq3A_522 : vector<256x1024xf32>
    %jit3A_524 = arith.constant 0x4B800000 : f32
    %broadcast_in_dim3A_525 = vector.broadcast %jit3A_524 : f32 to vector<256x1024xf32>
    %select_n3A_526 = arith.select %eq3A_523, %convert_element_type3A_10, %broadcast_in_dim3A_525 : vector<256x1024xi1>, vector<256x1024xf32>
    %reduce_min3A_527 = arith.constant dense<0x7F800000> : vector<1024xf32>
    %reduce_min3A_528 = vector.multi_reduction <minimumf>, %select_n3A_526, %reduce_min3A_527 [0] : vector<256x1024xf32> to vector<1024xf32>
    %broadcast_in_dim3A_529 = vector.shape_cast %reduce_min3A_528 : vector<1024xf32> to vector<1x1024xf32>
    %add3A_530 = arith.constant 5.888000e+03 : f32
    %add3A_531 = vector.broadcast %add3A_530 : f32 to vector<1x1024xf32>
    %add3A_532 = arith.addf %broadcast_in_dim3A_529, %add3A_531 : vector<1x1024xf32>
    %gt3A_533 = arith.cmpf ogt, %broadcast_in_dim3A_521, %select_n3A_512 : vector<1x1024xf32>
    %select_n3A_534 = arith.select %gt3A_533, %broadcast_in_dim3A_521, %select_n3A_512 : vector<1x1024xi1>, vector<1x1024xf32>
    %select_n3A_535 = arith.select %gt3A_533, %add3A_532, %select_n3A_513 : vector<1x1024xi1>, vector<1x1024xf32>
    %get3A_536 = arith.constant 0 : index
    %get3A_537 = arith.constant 6144 : index
    %get3A_538 = vector.load %arg4[%get3A_536, %get3A_537] : memref<32x8192xf32, #tpu.memory_space<vmem>>, vector<32x256xf32>
    %dot_general3A_539 = arith.constant dense<0.000000e+00> : vector<256x1024xf32>
    %dot_general3A_540 = tpu.matmul %get3A_538, %div3A_9, %dot_general3A_539 {dimension_numbers = #tpu.dot_dimension_numbers<[0], [0], [1], [1], [0, 1, 1, 1], [], []>, transpose_lhs_hint = false} : vector<32x256xf32>, vector<32x1024xf32>, vector<256x1024xf32> -> vector<256x1024xf32>
    %reduce_max3A_541 = arith.constant dense<0xFF800000> : vector<1024xf32>
    %reduce_max3A_542 = vector.multi_reduction <maximumf>, %dot_general3A_540, %reduce_max3A_541 [0] : vector<256x1024xf32> to vector<1024xf32>
    %broadcast_in_dim3A_543 = vector.shape_cast %reduce_max3A_542 : vector<1024xf32> to vector<1x1024xf32>
    %eq3A_544 = vector.broadcast %broadcast_in_dim3A_543 : vector<1x1024xf32> to vector<256x1024xf32>
    %eq3A_545 = arith.cmpf oeq, %dot_general3A_540, %eq3A_544 : vector<256x1024xf32>
    %jit3A_546 = arith.constant 0x4B800000 : f32
    %broadcast_in_dim3A_547 = vector.broadcast %jit3A_546 : f32 to vector<256x1024xf32>
    %select_n3A_548 = arith.select %eq3A_545, %convert_element_type3A_10, %broadcast_in_dim3A_547 : vector<256x1024xi1>, vector<256x1024xf32>
    %reduce_min3A_549 = arith.constant dense<0x7F800000> : vector<1024xf32>
    %reduce_min3A_550 = vector.multi_reduction <minimumf>, %select_n3A_548, %reduce_min3A_549 [0] : vector<256x1024xf32> to vector<1024xf32>
    %broadcast_in_dim3A_551 = vector.shape_cast %reduce_min3A_550 : vector<1024xf32> to vector<1x1024xf32>
    %add3A_552 = arith.constant 6.144000e+03 : f32
    %add3A_553 = vector.broadcast %add3A_552 : f32 to vector<1x1024xf32>
    %add3A_554 = arith.addf %broadcast_in_dim3A_551, %add3A_553 : vector<1x1024xf32>
    %gt3A_555 = arith.cmpf ogt, %broadcast_in_dim3A_543, %select_n3A_534 : vector<1x1024xf32>
    %select_n3A_556 = arith.select %gt3A_555, %broadcast_in_dim3A_543, %select_n3A_534 : vector<1x1024xi1>, vector<1x1024xf32>
    %select_n3A_557 = arith.select %gt3A_555, %add3A_554, %select_n3A_535 : vector<1x1024xi1>, vector<1x1024xf32>
    %get3A_558 = arith.constant 0 : index
    %get3A_559 = arith.constant 6400 : index
    %get3A_560 = vector.load %arg4[%get3A_558, %get3A_559] : memref<32x8192xf32, #tpu.memory_space<vmem>>, vector<32x256xf32>
    %dot_general3A_561 = arith.constant dense<0.000000e+00> : vector<256x1024xf32>
    %dot_general3A_562 = tpu.matmul %get3A_560, %div3A_9, %dot_general3A_561 {dimension_numbers = #tpu.dot_dimension_numbers<[0], [0], [1], [1], [0, 1, 1, 1], [], []>, transpose_lhs_hint = false} : vector<32x256xf32>, vector<32x1024xf32>, vector<256x1024xf32> -> vector<256x1024xf32>
    %reduce_max3A_563 = arith.constant dense<0xFF800000> : vector<1024xf32>
    %reduce_max3A_564 = vector.multi_reduction <maximumf>, %dot_general3A_562, %reduce_max3A_563 [0] : vector<256x1024xf32> to vector<1024xf32>
    %broadcast_in_dim3A_565 = vector.shape_cast %reduce_max3A_564 : vector<1024xf32> to vector<1x1024xf32>
    %eq3A_566 = vector.broadcast %broadcast_in_dim3A_565 : vector<1x1024xf32> to vector<256x1024xf32>
    %eq3A_567 = arith.cmpf oeq, %dot_general3A_562, %eq3A_566 : vector<256x1024xf32>
    %jit3A_568 = arith.constant 0x4B800000 : f32
    %broadcast_in_dim3A_569 = vector.broadcast %jit3A_568 : f32 to vector<256x1024xf32>
    %select_n3A_570 = arith.select %eq3A_567, %convert_element_type3A_10, %broadcast_in_dim3A_569 : vector<256x1024xi1>, vector<256x1024xf32>
    %reduce_min3A_571 = arith.constant dense<0x7F800000> : vector<1024xf32>
    %reduce_min3A_572 = vector.multi_reduction <minimumf>, %select_n3A_570, %reduce_min3A_571 [0] : vector<256x1024xf32> to vector<1024xf32>
    %broadcast_in_dim3A_573 = vector.shape_cast %reduce_min3A_572 : vector<1024xf32> to vector<1x1024xf32>
    %add3A_574 = arith.constant 6.400000e+03 : f32
    %add3A_575 = vector.broadcast %add3A_574 : f32 to vector<1x1024xf32>
    %add3A_576 = arith.addf %broadcast_in_dim3A_573, %add3A_575 : vector<1x1024xf32>
    %gt3A_577 = arith.cmpf ogt, %broadcast_in_dim3A_565, %select_n3A_556 : vector<1x1024xf32>
    %select_n3A_578 = arith.select %gt3A_577, %broadcast_in_dim3A_565, %select_n3A_556 : vector<1x1024xi1>, vector<1x1024xf32>
    %select_n3A_579 = arith.select %gt3A_577, %add3A_576, %select_n3A_557 : vector<1x1024xi1>, vector<1x1024xf32>
    %get3A_580 = arith.constant 0 : index
    %get3A_581 = arith.constant 6656 : index
    %get3A_582 = vector.load %arg4[%get3A_580, %get3A_581] : memref<32x8192xf32, #tpu.memory_space<vmem>>, vector<32x256xf32>
    %dot_general3A_583 = arith.constant dense<0.000000e+00> : vector<256x1024xf32>
    %dot_general3A_584 = tpu.matmul %get3A_582, %div3A_9, %dot_general3A_583 {dimension_numbers = #tpu.dot_dimension_numbers<[0], [0], [1], [1], [0, 1, 1, 1], [], []>, transpose_lhs_hint = false} : vector<32x256xf32>, vector<32x1024xf32>, vector<256x1024xf32> -> vector<256x1024xf32>
    %reduce_max3A_585 = arith.constant dense<0xFF800000> : vector<1024xf32>
    %reduce_max3A_586 = vector.multi_reduction <maximumf>, %dot_general3A_584, %reduce_max3A_585 [0] : vector<256x1024xf32> to vector<1024xf32>
    %broadcast_in_dim3A_587 = vector.shape_cast %reduce_max3A_586 : vector<1024xf32> to vector<1x1024xf32>
    %eq3A_588 = vector.broadcast %broadcast_in_dim3A_587 : vector<1x1024xf32> to vector<256x1024xf32>
    %eq3A_589 = arith.cmpf oeq, %dot_general3A_584, %eq3A_588 : vector<256x1024xf32>
    %jit3A_590 = arith.constant 0x4B800000 : f32
    %broadcast_in_dim3A_591 = vector.broadcast %jit3A_590 : f32 to vector<256x1024xf32>
    %select_n3A_592 = arith.select %eq3A_589, %convert_element_type3A_10, %broadcast_in_dim3A_591 : vector<256x1024xi1>, vector<256x1024xf32>
    %reduce_min3A_593 = arith.constant dense<0x7F800000> : vector<1024xf32>
    %reduce_min3A_594 = vector.multi_reduction <minimumf>, %select_n3A_592, %reduce_min3A_593 [0] : vector<256x1024xf32> to vector<1024xf32>
    %broadcast_in_dim3A_595 = vector.shape_cast %reduce_min3A_594 : vector<1024xf32> to vector<1x1024xf32>
    %add3A_596 = arith.constant 6.656000e+03 : f32
    %add3A_597 = vector.broadcast %add3A_596 : f32 to vector<1x1024xf32>
    %add3A_598 = arith.addf %broadcast_in_dim3A_595, %add3A_597 : vector<1x1024xf32>
    %gt3A_599 = arith.cmpf ogt, %broadcast_in_dim3A_587, %select_n3A_578 : vector<1x1024xf32>
    %select_n3A_600 = arith.select %gt3A_599, %broadcast_in_dim3A_587, %select_n3A_578 : vector<1x1024xi1>, vector<1x1024xf32>
    %select_n3A_601 = arith.select %gt3A_599, %add3A_598, %select_n3A_579 : vector<1x1024xi1>, vector<1x1024xf32>
    %get3A_602 = arith.constant 0 : index
    %get3A_603 = arith.constant 6912 : index
    %get3A_604 = vector.load %arg4[%get3A_602, %get3A_603] : memref<32x8192xf32, #tpu.memory_space<vmem>>, vector<32x256xf32>
    %dot_general3A_605 = arith.constant dense<0.000000e+00> : vector<256x1024xf32>
    %dot_general3A_606 = tpu.matmul %get3A_604, %div3A_9, %dot_general3A_605 {dimension_numbers = #tpu.dot_dimension_numbers<[0], [0], [1], [1], [0, 1, 1, 1], [], []>, transpose_lhs_hint = false} : vector<32x256xf32>, vector<32x1024xf32>, vector<256x1024xf32> -> vector<256x1024xf32>
    %reduce_max3A_607 = arith.constant dense<0xFF800000> : vector<1024xf32>
    %reduce_max3A_608 = vector.multi_reduction <maximumf>, %dot_general3A_606, %reduce_max3A_607 [0] : vector<256x1024xf32> to vector<1024xf32>
    %broadcast_in_dim3A_609 = vector.shape_cast %reduce_max3A_608 : vector<1024xf32> to vector<1x1024xf32>
    %eq3A_610 = vector.broadcast %broadcast_in_dim3A_609 : vector<1x1024xf32> to vector<256x1024xf32>
    %eq3A_611 = arith.cmpf oeq, %dot_general3A_606, %eq3A_610 : vector<256x1024xf32>
    %jit3A_612 = arith.constant 0x4B800000 : f32
    %broadcast_in_dim3A_613 = vector.broadcast %jit3A_612 : f32 to vector<256x1024xf32>
    %select_n3A_614 = arith.select %eq3A_611, %convert_element_type3A_10, %broadcast_in_dim3A_613 : vector<256x1024xi1>, vector<256x1024xf32>
    %reduce_min3A_615 = arith.constant dense<0x7F800000> : vector<1024xf32>
    %reduce_min3A_616 = vector.multi_reduction <minimumf>, %select_n3A_614, %reduce_min3A_615 [0] : vector<256x1024xf32> to vector<1024xf32>
    %broadcast_in_dim3A_617 = vector.shape_cast %reduce_min3A_616 : vector<1024xf32> to vector<1x1024xf32>
    %add3A_618 = arith.constant 6.912000e+03 : f32
    %add3A_619 = vector.broadcast %add3A_618 : f32 to vector<1x1024xf32>
    %add3A_620 = arith.addf %broadcast_in_dim3A_617, %add3A_619 : vector<1x1024xf32>
    %gt3A_621 = arith.cmpf ogt, %broadcast_in_dim3A_609, %select_n3A_600 : vector<1x1024xf32>
    %select_n3A_622 = arith.select %gt3A_621, %broadcast_in_dim3A_609, %select_n3A_600 : vector<1x1024xi1>, vector<1x1024xf32>
    %select_n3A_623 = arith.select %gt3A_621, %add3A_620, %select_n3A_601 : vector<1x1024xi1>, vector<1x1024xf32>
    %get3A_624 = arith.constant 0 : index
    %get3A_625 = arith.constant 7168 : index
    %get3A_626 = vector.load %arg4[%get3A_624, %get3A_625] : memref<32x8192xf32, #tpu.memory_space<vmem>>, vector<32x256xf32>
    %dot_general3A_627 = arith.constant dense<0.000000e+00> : vector<256x1024xf32>
    %dot_general3A_628 = tpu.matmul %get3A_626, %div3A_9, %dot_general3A_627 {dimension_numbers = #tpu.dot_dimension_numbers<[0], [0], [1], [1], [0, 1, 1, 1], [], []>, transpose_lhs_hint = false} : vector<32x256xf32>, vector<32x1024xf32>, vector<256x1024xf32> -> vector<256x1024xf32>
    %reduce_max3A_629 = arith.constant dense<0xFF800000> : vector<1024xf32>
    %reduce_max3A_630 = vector.multi_reduction <maximumf>, %dot_general3A_628, %reduce_max3A_629 [0] : vector<256x1024xf32> to vector<1024xf32>
    %broadcast_in_dim3A_631 = vector.shape_cast %reduce_max3A_630 : vector<1024xf32> to vector<1x1024xf32>
    %eq3A_632 = vector.broadcast %broadcast_in_dim3A_631 : vector<1x1024xf32> to vector<256x1024xf32>
    %eq3A_633 = arith.cmpf oeq, %dot_general3A_628, %eq3A_632 : vector<256x1024xf32>
    %jit3A_634 = arith.constant 0x4B800000 : f32
    %broadcast_in_dim3A_635 = vector.broadcast %jit3A_634 : f32 to vector<256x1024xf32>
    %select_n3A_636 = arith.select %eq3A_633, %convert_element_type3A_10, %broadcast_in_dim3A_635 : vector<256x1024xi1>, vector<256x1024xf32>
    %reduce_min3A_637 = arith.constant dense<0x7F800000> : vector<1024xf32>
    %reduce_min3A_638 = vector.multi_reduction <minimumf>, %select_n3A_636, %reduce_min3A_637 [0] : vector<256x1024xf32> to vector<1024xf32>
    %broadcast_in_dim3A_639 = vector.shape_cast %reduce_min3A_638 : vector<1024xf32> to vector<1x1024xf32>
    %add3A_640 = arith.constant 7.168000e+03 : f32
    %add3A_641 = vector.broadcast %add3A_640 : f32 to vector<1x1024xf32>
    %add3A_642 = arith.addf %broadcast_in_dim3A_639, %add3A_641 : vector<1x1024xf32>
    %gt3A_643 = arith.cmpf ogt, %broadcast_in_dim3A_631, %select_n3A_622 : vector<1x1024xf32>
    %select_n3A_644 = arith.select %gt3A_643, %broadcast_in_dim3A_631, %select_n3A_622 : vector<1x1024xi1>, vector<1x1024xf32>
    %select_n3A_645 = arith.select %gt3A_643, %add3A_642, %select_n3A_623 : vector<1x1024xi1>, vector<1x1024xf32>
    %get3A_646 = arith.constant 0 : index
    %get3A_647 = arith.constant 7424 : index
    %get3A_648 = vector.load %arg4[%get3A_646, %get3A_647] : memref<32x8192xf32, #tpu.memory_space<vmem>>, vector<32x256xf32>
    %dot_general3A_649 = arith.constant dense<0.000000e+00> : vector<256x1024xf32>
    %dot_general3A_650 = tpu.matmul %get3A_648, %div3A_9, %dot_general3A_649 {dimension_numbers = #tpu.dot_dimension_numbers<[0], [0], [1], [1], [0, 1, 1, 1], [], []>, transpose_lhs_hint = false} : vector<32x256xf32>, vector<32x1024xf32>, vector<256x1024xf32> -> vector<256x1024xf32>
    %reduce_max3A_651 = arith.constant dense<0xFF800000> : vector<1024xf32>
    %reduce_max3A_652 = vector.multi_reduction <maximumf>, %dot_general3A_650, %reduce_max3A_651 [0] : vector<256x1024xf32> to vector<1024xf32>
    %broadcast_in_dim3A_653 = vector.shape_cast %reduce_max3A_652 : vector<1024xf32> to vector<1x1024xf32>
    %eq3A_654 = vector.broadcast %broadcast_in_dim3A_653 : vector<1x1024xf32> to vector<256x1024xf32>
    %eq3A_655 = arith.cmpf oeq, %dot_general3A_650, %eq3A_654 : vector<256x1024xf32>
    %jit3A_656 = arith.constant 0x4B800000 : f32
    %broadcast_in_dim3A_657 = vector.broadcast %jit3A_656 : f32 to vector<256x1024xf32>
    %select_n3A_658 = arith.select %eq3A_655, %convert_element_type3A_10, %broadcast_in_dim3A_657 : vector<256x1024xi1>, vector<256x1024xf32>
    %reduce_min3A_659 = arith.constant dense<0x7F800000> : vector<1024xf32>
    %reduce_min3A_660 = vector.multi_reduction <minimumf>, %select_n3A_658, %reduce_min3A_659 [0] : vector<256x1024xf32> to vector<1024xf32>
    %broadcast_in_dim3A_661 = vector.shape_cast %reduce_min3A_660 : vector<1024xf32> to vector<1x1024xf32>
    %add3A_662 = arith.constant 7.424000e+03 : f32
    %add3A_663 = vector.broadcast %add3A_662 : f32 to vector<1x1024xf32>
    %add3A_664 = arith.addf %broadcast_in_dim3A_661, %add3A_663 : vector<1x1024xf32>
    %gt3A_665 = arith.cmpf ogt, %broadcast_in_dim3A_653, %select_n3A_644 : vector<1x1024xf32>
    %select_n3A_666 = arith.select %gt3A_665, %broadcast_in_dim3A_653, %select_n3A_644 : vector<1x1024xi1>, vector<1x1024xf32>
    %select_n3A_667 = arith.select %gt3A_665, %add3A_664, %select_n3A_645 : vector<1x1024xi1>, vector<1x1024xf32>
    %get3A_668 = arith.constant 0 : index
    %get3A_669 = arith.constant 7680 : index
    %get3A_670 = vector.load %arg4[%get3A_668, %get3A_669] : memref<32x8192xf32, #tpu.memory_space<vmem>>, vector<32x256xf32>
    %dot_general3A_671 = arith.constant dense<0.000000e+00> : vector<256x1024xf32>
    %dot_general3A_672 = tpu.matmul %get3A_670, %div3A_9, %dot_general3A_671 {dimension_numbers = #tpu.dot_dimension_numbers<[0], [0], [1], [1], [0, 1, 1, 1], [], []>, transpose_lhs_hint = false} : vector<32x256xf32>, vector<32x1024xf32>, vector<256x1024xf32> -> vector<256x1024xf32>
    %reduce_max3A_673 = arith.constant dense<0xFF800000> : vector<1024xf32>
    %reduce_max3A_674 = vector.multi_reduction <maximumf>, %dot_general3A_672, %reduce_max3A_673 [0] : vector<256x1024xf32> to vector<1024xf32>
    %broadcast_in_dim3A_675 = vector.shape_cast %reduce_max3A_674 : vector<1024xf32> to vector<1x1024xf32>
    %eq3A_676 = vector.broadcast %broadcast_in_dim3A_675 : vector<1x1024xf32> to vector<256x1024xf32>
    %eq3A_677 = arith.cmpf oeq, %dot_general3A_672, %eq3A_676 : vector<256x1024xf32>
    %jit3A_678 = arith.constant 0x4B800000 : f32
    %broadcast_in_dim3A_679 = vector.broadcast %jit3A_678 : f32 to vector<256x1024xf32>
    %select_n3A_680 = arith.select %eq3A_677, %convert_element_type3A_10, %broadcast_in_dim3A_679 : vector<256x1024xi1>, vector<256x1024xf32>
    %reduce_min3A_681 = arith.constant dense<0x7F800000> : vector<1024xf32>
    %reduce_min3A_682 = vector.multi_reduction <minimumf>, %select_n3A_680, %reduce_min3A_681 [0] : vector<256x1024xf32> to vector<1024xf32>
    %broadcast_in_dim3A_683 = vector.shape_cast %reduce_min3A_682 : vector<1024xf32> to vector<1x1024xf32>
    %add3A_684 = arith.constant 7.680000e+03 : f32
    %add3A_685 = vector.broadcast %add3A_684 : f32 to vector<1x1024xf32>
    %add3A_686 = arith.addf %broadcast_in_dim3A_683, %add3A_685 : vector<1x1024xf32>
    %gt3A_687 = arith.cmpf ogt, %broadcast_in_dim3A_675, %select_n3A_666 : vector<1x1024xf32>
    %select_n3A_688 = arith.select %gt3A_687, %broadcast_in_dim3A_675, %select_n3A_666 : vector<1x1024xi1>, vector<1x1024xf32>
    %select_n3A_689 = arith.select %gt3A_687, %add3A_686, %select_n3A_667 : vector<1x1024xi1>, vector<1x1024xf32>
    %get3A_690 = arith.constant 0 : index
    %get3A_691 = arith.constant 7936 : index
    %get3A_692 = vector.load %arg4[%get3A_690, %get3A_691] : memref<32x8192xf32, #tpu.memory_space<vmem>>, vector<32x256xf32>
    %dot_general3A_693 = arith.constant dense<0.000000e+00> : vector<256x1024xf32>
    %dot_general3A_694 = tpu.matmul %get3A_692, %div3A_9, %dot_general3A_693 {dimension_numbers = #tpu.dot_dimension_numbers<[0], [0], [1], [1], [0, 1, 1, 1], [], []>, transpose_lhs_hint = false} : vector<32x256xf32>, vector<32x1024xf32>, vector<256x1024xf32> -> vector<256x1024xf32>
    %reduce_max3A_695 = arith.constant dense<0xFF800000> : vector<1024xf32>
    %reduce_max3A_696 = vector.multi_reduction <maximumf>, %dot_general3A_694, %reduce_max3A_695 [0] : vector<256x1024xf32> to vector<1024xf32>
    %broadcast_in_dim3A_697 = vector.shape_cast %reduce_max3A_696 : vector<1024xf32> to vector<1x1024xf32>
    %eq3A_698 = vector.broadcast %broadcast_in_dim3A_697 : vector<1x1024xf32> to vector<256x1024xf32>
    %eq3A_699 = arith.cmpf oeq, %dot_general3A_694, %eq3A_698 : vector<256x1024xf32>
    %jit3A_700 = arith.constant 0x4B800000 : f32
    %broadcast_in_dim3A_701 = vector.broadcast %jit3A_700 : f32 to vector<256x1024xf32>
    %select_n3A_702 = arith.select %eq3A_699, %convert_element_type3A_10, %broadcast_in_dim3A_701 : vector<256x1024xi1>, vector<256x1024xf32>
    %reduce_min3A_703 = arith.constant dense<0x7F800000> : vector<1024xf32>
    %reduce_min3A_704 = vector.multi_reduction <minimumf>, %select_n3A_702, %reduce_min3A_703 [0] : vector<256x1024xf32> to vector<1024xf32>
    %broadcast_in_dim3A_705 = vector.shape_cast %reduce_min3A_704 : vector<1024xf32> to vector<1x1024xf32>
    %add3A_706 = arith.constant 7.936000e+03 : f32
    %add3A_707 = vector.broadcast %add3A_706 : f32 to vector<1x1024xf32>
    %add3A_708 = arith.addf %broadcast_in_dim3A_705, %add3A_707 : vector<1x1024xf32>
    %gt3A_709 = arith.cmpf ogt, %broadcast_in_dim3A_697, %select_n3A_688 : vector<1x1024xf32>
    %select_n3A_710 = arith.select %gt3A_709, %add3A_708, %select_n3A_689 : vector<1x1024xi1>, vector<1x1024xf32>
    %broadcast_in_dim3A_711 = vector.shape_cast %select_n3A_710 : vector<1x1024xf32> to vector<1x1x1024xf32>
    %convert_element_type3A_712 = arith.fptosi %broadcast_in_dim3A_711 : vector<1x1x1024xf32> to vector<1x1x1024xi32>
    %swap3A = arith.constant 0 : index
    %swap3A_713 = arith.constant 0 : index
    %swap3A_714 = arith.constant 0 : index
    %swap3A_715 = vector.load %arg3[%swap3A, %swap3A_713, %swap3A_714] : memref<1x1x1024xi32, #tpu.memory_space<vmem>>, vector<1x1x1024xi32>
    tpu.vector_store %arg3[%swap3A, %swap3A_713, %swap3A_714], %convert_element_type3A_712 {strides = array<i32>} : memref<1x1x1024xi32, #tpu.memory_space<vmem>>, vector<1x1x1024xi32>,
    return
  }
  func.func @transform_0(%arg0: i32) -> (i32, i32, i32) {
    %c0_i32 = arith.constant 0 : i32
    %c0_i32_0 = arith.constant 0 : i32
    %c0_i32_1 = arith.constant 0 : i32
    return %arg0, %c0_i32, %c0_i32_0 : i32, i32, i32
  }
  func.func @transform_1(%arg0: i32) -> (i32, i32) {
    %c0_i32 = arith.constant 0 : i32
    %c0_i32_0 = arith.constant 0 : i32
    %c0_i32_1 = arith.constant 0 : i32
    return %c0_i32, %c0_i32_0 : i32, i32
  }
  func.func @transform_2(%arg0: i32) -> (i32, i32, i32) {
    %c0_i32 = arith.constant 0 : i32
    %c0_i32_0 = arith.constant 0 : i32
    %c0_i32_1 = arith.constant 0 : i32
    return %arg0, %c0_i32, %c0_i32_0 : i32, i32, i32
  }
}

</mosaic_0001>

<sc_bundles>
// kernel: kernel.4.cloned.1.call-start
scs
__scs_entry_jumppad:
0x0: {  	(pc) =	sbr.rel $0x88, $3  }
0x1: {  	(tag) =	ssettag $0x0;
	lr =	simm.s32 $0x1  }
0x2: {  	[smem:$0x3F9F] =	sst lr;
	_ =	strace $0xD0000000  }
0x3: {  	_ = 	snop  }
0x4: {  	_ = 	snop  }
0x5: {  	_ = 	snop  }
0x6: {  	_ = 	snop  }
0x7: {  	_ = 	snop  }
__scs_overlays_trampoline_lowered:
0x8: {  	[smem:$0x3FAE] =	sst s0  }
0x9: {  	[smem:$0x3FAF] =	sst s1  }
0xa: {  	[smem:$0x3FB0] =	sst s2  }
0xb: {  	[smem:$0x3FB1] =	sst s3  }
0xc: {  	[smem:$0x3FB2] =	sst s4  }
0xd: {  	[smem:$0x3FB3] =	sst s5  }
0xe: {  	[smem:$0x3FB4] =	sst s6  }
0xf: {  	[smem:$0x3FB5] =	sst s7  }
0x10: {  	[smem:$0x3FB6] =	sst s8  }
0x11: {  	[smem:$0x3FB7] =	sst s9;
	s0 =	simm.s32 @!p0 $0x0  }
0x12: {  	s1 =	sld [smem:$0x3F9D];
	s0 =	simm.s32 @p0 $0x1  }
0x13: {  	[smem:$0x3FB8] =	sst s0;
	s0 =	simm.s32 @!p1 $0x0  }
0x14: {  	s2 =	sld [smem:$0x3F9C];
	s0 =	simm.s32 @p1 $0x1  }
0x15: {  	[smem:$0x3FB9] =	sst s0;
	s0 =	simm.s32 @!p2 $0x0  }
0x16: {  	s3 =	sld [smem:$0x3FDB];
	s0 =	simm.s32 @p2 $0x1  }
0x17: {  	s4 =	simm.s32 $0x1BF5;
	[smem:$0x3FBB] =	sst s0  }
0x18: {  	s0 =	sld [smem:$0x3F9E];
	_ =	swait.ge [sflag:s4], $0x0  }
0x19: {  	s7 =	sld [smem:$0x3F9F]  }
0x1a: {  	s8 =	sadd.s32 $0xFFFFE003, lr  }
0x1b: {  	s9 =	sadd.s32 $0xFFFFFEF7, lr;
	s5 =	simm.s32 $0xFFFFFFFF;
	p2 =	slt.u32 s8, $0xFFFFF086  }
0x1c: {  	p1 =	slt.u32 s9, $0xF7A;
	s5 =	simm.s32 @!p2 $0x0  }
0x1d: {  	s5 =	simm.s32 @p1 $0x1;
	p0 =	seq.s32 s7, s2  }
0x1e: {  	s7 =	smul.u32 @!p0 $0xF7A, s2;
	p2 =	seq.s32 @!p0 s5, $0x0  }
0x1f: {  	s9 =	smul.u32 $0xF7A, s1;
	s8 =	simm.s32 @!p0 $0x1BF5;
	p2 =	por !p2, p0  }
0x20: {  	[sflag:s8] =	ssyncset.s32 @!p0 $0xFFFFF086;
	s6 =	sadd.s32 @!p0 s3, s7;
	s7 =	simm.s32 @!p0 $0x108  }
0x21: {  	s3 =	sadd.s32 s3, s9;
	s6 =	sadd.s32 @!p0 $0x88, s6;
	s7 =	simm.s32 @p2 $0x1082  }
0x22: {  	[simem:s7], [sflag:s8] =	dma.local @!p0 [hbm:s6], $0xF7A  }
0x23: {  	s9 =	sor.u32 $0xD0000000, s2;
	s6 =	simm.s32 $0x108;
	_ =	swait.ge @!p0 [sflag:s8], $0x0  }
0x24: {  	s3 =	sadd.s32 $0x88, s3;
	s6 =	simm.s32 @!p1 $0x1082;
	[sflag:s4] =	ssyncset.s32 $0xFFFFF086  }
0x25: {  	[simem:s6], [sflag:s4] =	dma.local [hbm:s3], $0xF7A  }
0x26: {  	[smem:$0x3F9F] =	sst s1;
	(tag) =	ssettag s2;
	_ =	strace s9  }
0x27: {  	s1 =	sld [smem:$0x3FAF]  }
0x28: {  	s2 =	sld [smem:$0x3FB0]  }
0x29: {  	s4 =	sld [smem:$0x3FB2]  }
0x2a: {  	p0 =	seq.s32 s5, $0x0;
	s5 =	sld [smem:$0x3FB3]  }
0x2b: {  	s6 =	sld [smem:$0x3FB4]  }
0x2c: {  	s7 =	sld [smem:$0x3FB5]  }
0x2d: {  	s3 =	simm.s32 $0x108;
	s8 =	sld [smem:$0x3FB6]  }
0x2e: {  	s3 =	simm.s32 @!p0 $0x1082;
	s9 =	sld [smem:$0x3FB7]  }
0x2f: {  	lr =	sadd.s32 s0, s3;
	s0 =	sld [smem:$0x3FAE]  }
0x30: {  	s3 =	sld [smem:$0x3FB1]  }
0x31: {  	[smem:$0x3FBA] =	sst s10  }
0x32: {  	s10 =	sld [smem:$0x3FB8];
	_ =	sdelay $0x3  }
0x33: {  	p0 =	seq.s32 s10, $0x1;
	s10 =	sld [smem:$0x3FBA];
	_ =	sdelay $0x3  }
0x34: {  	[smem:$0x3FBA] =	sst s10  }
0x35: {  	s10 =	sld [smem:$0x3FB9];
	_ =	sdelay $0x3  }
0x36: {  	p1 =	seq.s32 s10, $0x1;
	s10 =	sld [smem:$0x3FBA];
	_ =	sdelay $0x3  }
0x37: {  	[smem:$0x3FBA] =	sst s10  }
0x38: {  	s10 =	sld [smem:$0x3FBB]  }
0x39: {  	_ = 	snop;
	(pc) =	sbr.ind lr, $3  }
0x3a: {  	_ = 	snop  }
0x3b: {  	_ = 	snop  }
0x3c: {  	p2 =	seq.s32 s10, $0x1;
	s10 =	sld [smem:$0x3FBA]  }
0x3d: {  	_ =	shalt  }
0x3e: {  	_ =	shalt  }
0x3f: {  	_ =	shalt  }
0x40: {  	_ =	shalt  }
0x41: {  	_ =	shalt  }
0x42: {  	_ =	shalt  }
0x43: {  	_ =	shalt  }
0x44: {  	_ =	shalt  }
0x45: {  	_ =	shalt  }
0x46: {  	_ =	shalt  }
0x47: {  	_ =	shalt  }
0x48: {  	_ =	shalt  }
0x49: {  	_ =	shalt  }
0x4a: {  	_ =	shalt  }
0x4b: {  	_ =	shalt  }
0x4c: {  	_ =	shalt  }
0x4d: {  	_ =	shalt  }
0x4e: {  	_ =	shalt  }
0x4f: {  	_ =	shalt  }
0x50: {  	_ =	shalt  }
0x51: {  	_ =	shalt  }
0x52: {  	_ =	shalt  }
0x53: {  	_ =	shalt  }
0x54: {  	_ =	shalt  }
0x55: {  	_ =	shalt  }
0x56: {  	_ =	shalt  }
0x57: {  	_ =	shalt  }
0x58: {  	_ =	shalt  }
0x59: {  	_ =	shalt  }
0x5a: {  	_ =	shalt  }
0x5b: {  	_ =	shalt  }
0x5c: {  	_ =	shalt  }
0x5d: {  	_ =	shalt  }
0x5e: {  	_ =	shalt  }
0x5f: {  	_ =	shalt  }
0x60: {  	_ =	shalt  }
0x61: {  	_ =	shalt  }
0x62: {  	_ =	shalt  }
0x63: {  	_ =	shalt  }
0x64: {  	_ =	shalt  }
0x65: {  	_ =	shalt  }
0x66: {  	_ =	shalt  }
0x67: {  	_ =	shalt  }
0x68: {  	_ =	shalt  }
0x69: {  	_ =	shalt  }
0x6a: {  	_ =	shalt  }
0x6b: {  	_ =	shalt  }
0x6c: {  	_ =	shalt  }
0x6d: {  	_ =	shalt  }
0x6e: {  	_ =	shalt  }
0x6f: {  	_ =	shalt  }
0x70: {  	_ =	shalt  }
0x71: {  	_ =	shalt  }
0x72: {  	_ =	shalt  }
0x73: {  	_ =	shalt  }
0x74: {  	_ =	shalt  }
0x75: {  	_ =	shalt  }
0x76: {  	_ =	shalt  }
0x77: {  	_ =	shalt  }
0x78: {  	_ =	shalt  }
0x79: {  	_ =	shalt  }
0x7a: {  	_ =	shalt  }
0x7b: {  	_ =	shalt  }
0x7c: {  	_ =	shalt  }
0x7d: {  	_ =	shalt  }
0x7e: {  	_ =	shalt  }
0x7f: {  	_ =	shalt  }
0x80: {  	_ =	shalt  }
0x81: {  	_ =	shalt  }
0x82: {  	_ =	shalt  }
0x83: {  	_ =	shalt  }
0x84: {  	_ =	shalt  }
0x85: {  	_ =	shalt  }
0x86: {  	_ =	shalt  }
0x87: {  	_ =	shalt  }
.Lfunc_end0:
.L_simem_size_0:
called_computation_lowered:
.L_overlay_start_0:
0x88: {  	s2 =	sld [smem:$0x3FD9]  }
0x89: {  	s3 =	sld [smem:$0x3FFE];
	_ =	sdelay $0x1  }
0x8a: {  	s1 =	srdreg.scid  }
0x8b: {  	s0 =	sand.u32 $0x1, s1  }
0x8c: {  	s14 =	sshll.u32 s0, $0xA;
	s2 =	sadd.s32 s3, s2  }
0x8d: {  	s2 =	sadd.s32 s2, s14  }
0x8e: {  	[smem:$0x3FC6] =	sst s2  }
0x8f: {  	_ = 	snop  }
0x90: {  	s2 =	sld [smem:$0x3FD0];
	_ =	sdelay $0x2  }
0x91: {  	s15 =	simm.s32 $0xA;
	s4 =	simm.s32 $0x10  }
0x92: {  	[smem:s4], [sflag:s15] =	dma.local [hbm:s2], $0x1  }
0x93: {  	_ =	swait.eq [sflag:s15], $0x1  }
0x94: {  	[sflag:s15] =	ssyncset.done $0x0  }
0x95: {  	[sflag:s15] =	ssyncadd.s32 $0xFFFFFFFF  }
0x96: {  	s16 =	sld [smem:$0x10];
	(tm) =	ssettm $0x1  }
0x97: {  	s17 =	sld [smem:$0x3FFB];
	_ =	sdelay $0x3  }
0x98: {  	_ =	strace s17  }
0x99: {  	s3 =	sld [smem:$0x3FFC];
	_ =	sdelay $0x3  }
0x9a: {  	_ =	strace s3  }
0x9b: {  	s3 =	sld [smem:$0x3FFD];
	_ =	sdelay $0x3  }
0x9c: {  	_ =	strace s3  }
0x9d: {  	_ =	strace $0x8FFFFFFF  }
0x9e: {  	s18 =	sld [smem:$0x3FDB];
	_ =	sdelay $0x1  }
0x9f: {  	s19 =	simm.s32 $_scs_section_size  }
0xa0: {  	s5 =	simm.s32 $_size__tile_overlayer_lowered;
	s6 =	simm.s32 $_tile_overlayer_lowered  }
0xa1: {  	s22 =	simm.s32 $0x1BFF;
	s21 =	sshll.u32 s6, $0x1;
	s3 =	sadd.s32 s19, s18  }
0xa2: {  	s7 =	simm.s32 $0x0;
	s20 =	sshll.u32 s5, $0x1;
	s5 =	sadd.s32 s21, s3  }
0xa3: {  	[timem:s7], [sflag:s22] =	dma.local [hbm:s5], s20  }
0xa4: {  	_ =	swait.ge [sflag:s22], s20  }
0xa5: {  	s4 =	ssub.s32 $0x0, s20;
	[sflag:s22] =	ssyncset.done $0x0  }
0xa6: {  	[sflag:s22] =	ssyncadd.s32 s4;
	_ =	sdelay $0x1  }
0xa7: {  	s23 =	simm.s32 $0x1B8B  }
0xa8: {  	_ =	swait.ge [sflag:s23], $0x1  }
0xa9: {  	[sflag:s23] =	ssyncset.done $0x0  }
0xaa: {  	s25 =	simm.s32 $0x1B8E;
	s24 =	sld [smem:$0x3FFE];
	[sflag:s23] =	ssyncadd.s32 $0xFFFFFFFF  }
0xab: {  	s26 =	simm.s32 $execute0_lowered;
	[smem:$0x3FD2] =	sst s25  }
0xac: {  	s5 =	sshll.u32 s26, $0x1;
	_ =	strace $0x80000046;
	[dreg:$0x1] =	wrdreg $0xFFFFFFFF  }
0xad: {  	s28 =	simm.s32 $_size_execute0_lowered;
	s3 =	sadd.s32 s3, s5;
	[dreg:$0x0] =	wrdreg $0x0  }
0xae: {  	s5 =	sshll.u32 s28, $0x1;
	[dreg:$0x2] =	wrdreg s3  }
0xaf: {  	[dreg:$0x3] =	wrdreg s5  }
0xb0: {  	[dreg:$0x4] =	wrdreg $0xC0  }
0xb1: {  	_ =	task [dreg:s7], $0x5FFFF  }
0xb2: {  	[dreg:$0x1] =	wrdreg $0xFFFFFFFF  }
0xb3: {  	[dreg:$0x0] =	wrdreg $0x60  }
0xb4: {  	[dreg:$0x2] =	wrdreg s16  }
0xb5: {  	[dreg:$0x3] =	wrdreg s24  }
0xb6: {  	[dreg:$0x4] =	wrdreg $0x9  }
0xb7: {  	_ =	task.clear_ibuf [dreg:s7], $0x5FFFF;
	_ =	strace $0x90000046  }
0xb8: {  	s29 =	simm.s32 $0x9;
	_ =	strace $0x80000048  }
0xb9: {  	_ =	swait.ge [sflag:s29], $0x1  }
0xba: {  	[sflag:s29] =	ssyncadd.s32 $0xFFFFFFFF  }
0xbb: {  	_ =	strace $0x90000048  }
0xbc: {  	_ =	sfence  }
0xbd: {  	s30 =	sld [smem:$0x0];
	_ =	sdelay $0x2  }
0xbe: {  	s31 =	sshll.u32 s1, $0xD;
	s1 =	sshrl.u32 s1, $0x2  }
0xbf: {  	s3 =	sand.u32 $0x4000, s31;
	s1 =	sadd.s32 s1, s30  }
0xc0: {  	s0 =	sor.u32 s3, s0;
	s1 =	sshll.u32 s1, $0x11  }
0xc1: {  	s0 =	sor.u32 s1, s0  }
0xc2: {  	s0 =	sadd.s32 $0x8F2B, s0  }
0xc3: {  	[sflag:s0] =	ssyncadd.remote.s32 $0x1  }
0xc4: {  	_ =	sfence.sel $0xFFFF  }
0xc5: {  	[dreg:$0x0] =	wrdreg $0xFFFFFFFF;
	(pc) =	sbr.abs _section_cstart, $3  }
0xc6: {  	[dreg:$0x1] =	wrdreg $0xFFFFFFFF  }
0xc7: {  	_ =	task.clear_ibuf [dreg:s7], $0x2FFFF;
	_ =	strace $0x9FFFFFFF  }
0xc8: {  	(tm) =	ssettm $0x7FFFFFFF  }
0xc9: {  	_ =	shalt  }
tec
execute0_lowered:
.L_overlay_start_1:
0x0: {  	(tag) =	ssettag $0x1  }
0x1: {  	s2 =	rddreg [dreg:$0x0];
	s1 =	srdreg.scid  }
0x2: {  	s0 =	stileid.u32;
	s6 =	rddreg [dreg:$0x1];
	s3 =	simm.s32 $0x0  }
0x3: {  	s7 =	sand.u32 $0x1, s1;
	s4 =	sshll.u32 s0, $0x1;
	s1 =	rddreg [dreg:$0x2]  }
0x4: {  	[smem:$0x7FF] =	sst s3;
	s8 =	sor.u32 s7, s4  }
0x5: {  	s5 =	sshll.u32 s0, $0xB;
	_ =	strace $0x80000047;
	s4 =	sshll.u32 s8, $0x5  }
0x6: {  	s9 =	sand.u32 $0x7000, s5;
	s10 =	ssub.s32 $0x2, s7;
	s4 =	sadd.s32 s4, s6  }
0x7: {  	s7 =	simm.s32 $0x1;
	s5 =	sadd.s32 $0xC00, s4;
	s4 =	simm.s32 $0x2  }
0x8: {  	[tilespmem:s3], [sflag:$0x2] =	stream.linear.gather [hbm4b:s5+s3], $0x100, $0x38;
	[tilespmem:$0x2100] =	vst v63  }
0x9: {  	s9 =	sadd.s32 s9, s6;
	s11 =	sshrl.u32 s10, $0x1;
	_ =	swait.ge [sflag:s4], $0x100  }
0xa: {  	s8 =	sshll.u32 s8, $0xA;
	s10 =	ssub.s32 s10, s11;
	[sflag:s4] =	ssyncset.done $0x0  }
0xb: {  	s6 =	simm.s32 $0x100;
	s31 =	smax.u32 s10, $0x1;
	[sflag:s4] =	ssyncadd.s32 $0xFFFFFF00  }
0xc: {  	[tilespmem:s6], [sflag:$0x1] =	stream.indirect.gather [hbm4b:s2+s6], $0x20, s3, s6, $0xb8;
	[tilespmem:$0x2100] =	vst v63  }
0xd: {  	s8 =	sand.u32 $0xC00, s8;
	p0 =	sne.s32 s31, $0x1;
	_ =	swait.ge [sflag:s7], $0x2000  }
.Ltmp0:
0xe: {  	s8 =	sadd.s32 s8, s9;
	[sflag:s7] =	ssyncset.done $0x0;
	(pc) =	sbr.rel @!p0 .LBB2_2-.Ltmp0, $4  }
0xf: {  	s8 =	sadd.s32 $0x1000, s8;
	[sflag:s7] =	ssyncadd.s32 $0xFFFFE000  }
0x10: {  	[hbm4b:s8+s3] =	stream.linear.scatter [tilespmem:s6], [sflag:$0x2], $0x2000, $0x38;
	[tilespmem:$0x2100] =	vst v63  }
0x11: {  	_ =	swait.ge [sflag:s4], $0x2000  }
0x12: {  	s9 =	sadd.s32 $0xFFFFFFFF, s31;
	[sflag:s4] =	ssyncset.done $0x0  }
.LBB2_1:
0x13: {  	p0 =	sne.s32 s9, $0x1;
	s9 =	sadd.s32 $0xFFFFFFFF, s9;
	[sflag:s4] =	ssyncadd.s32 $0xFFFFE000  }
0x14: {  	[tilespmem:s3], [sflag:$0x2] =	stream.linear.gather [hbm4b:s5+s3], $0x100, $0x38;
	[tilespmem:$0x2100] =	vst v63  }
0x15: {  	_ =	swait.ge [sflag:s4], $0x100  }
0x16: {  	[sflag:s4] =	ssyncset.done $0x0  }
0x17: {  	[sflag:s4] =	ssyncadd.s32 $0xFFFFFF00  }
0x18: {  	[tilespmem:s6], [sflag:$0x1] =	stream.indirect.gather [hbm4b:s2+s6], $0x20, s3, s6, $0xb8;
	[tilespmem:$0x2100] =	vst v63  }
0x19: {  	_ =	swait.ge [sflag:s7], $0x2000  }
.Ltmp1:
0x1a: {  	[sflag:s7] =	ssyncset.done $0x0;
	(pc) =	sbr.rel @p0 .LBB2_1-.Ltmp1, $4  }
0x1b: {  	[sflag:s7] =	ssyncadd.s32 $0xFFFFE000  }
0x1c: {  	[hbm4b:s8+s3] =	stream.linear.scatter [tilespmem:s6], [sflag:$0x2], $0x2000, $0x38;
	[tilespmem:$0x2100] =	vst v63  }
0x1d: {  	_ =	swait.ge [sflag:s4], $0x2000  }
0x1e: {  	[sflag:s4] =	ssyncset.done $0x0  }
.LBB2_2:
0x1f: {  	[sflag:s4] =	ssyncadd.s32 $0xFFFFE000  }
0x20: {  	_ =	sfence.sel $0x180000  }
0x21: {  	[bflag:$0x0] =	sbarrier.arrive $0xFFFF  }
0x22: {  	p0 =	sne.s32 s0, $0x0;
	_ =	strace $0x90000047  }
0x23: {  	s0 =	sadd.s32 @!p0 $0x100000, s1;
	[bflag:$0x2] =	sbarrier.arrive $0xFFFF  }
0x24: {  	[sflag:s0] =	ssyncadd.tile.s32 @!p0 $0x1;
	_ =	shalt  }
.Lfunc_end2:
_tile_overlayer_lowered:
.L_overlay_start_2:
0x25: {  	(tag) =	ssettag $0x2  }
0x26: {  	s0 =	rddreg [dreg:$0x0];
	s2 =	stileid.u32  }
0x27: {  	s1 =	rddreg [dreg:$0x1];
	p0 =	sne.s32 s2, $0x0  }
0x28: {  	s3 =	rddreg [dreg:$0x2];
	[bflag:$0x3] =	sbarrier.arrive $0xFFFF;
	s2 =	simm.s32 @!p0 $0x1C02  }
0x29: {  	[timem:s3], [sflag:s2] =	dma.local @!p0 [hbm:s0], s1  }
0x2a: {  	s0 =	simm.s32 @!p0 $0x2  }
0x2b: {  	_ =	swait.ge @!p0 [sflag:s0], s1  }
0x2c: {  	s1 =	ssub.s32 @!p0 $0x0, s1;
	[sflag:s0] =	ssyncset.done @!p0 $0x0  }
0x2d: {  	[sflag:s0] =	ssyncadd.s32 @!p0 s1  }
0x2e: {  	[bflag:$0x3] =	sbarrier.arrive $0xFFFF  }
0x2f: {  	_ =	shalt  }

</sc_bundles>
